<compile_context>
chip_gen: v7x
topology: tpu7x:2x2x1
jax: 0.10.2.dev20260603
libtpu: 0.0.44.dev20260713+nightly
codegen_flags: <defaults>
</compile_context>

<pallas_src>
import jax
import jax.numpy as jnp
from jax import lax
from jax.experimental import pallas as pl
from jax.experimental.pallas import tpu as pltpu
from jax.experimental.pallas import tpu_sc as plsc

_N = 32768
_B = 16
_D = 256
_NC = 2
_NS = 16
_L = 16
_C = 256
_H = _D // _NC
_HV = _H // _L


def _sum_body(x_hbm, len_hbm, out_hbm, len_v, buf0, buf1, acc, rows16,
              shared, sem0, sem1):
    cid = lax.axis_index("c")
    sid = lax.axis_index("s")
    col0 = cid * _H

    pltpu.sync_copy(len_hbm, len_v)
    lens = len_v[...]
    csum = plsc.cumsum(lens)
    total = jnp.max(csum)
    lane = lax.iota(jnp.int32, _L)

    zero = jnp.zeros((_L,), jnp.float32)

    def zbody(i, c):
        for j in range(_HV):
            acc[i, pl.ds(j * _L, _L)] = zero
        return c

    lax.fori_loop(0, _B, zbody, 0)

    nchunks = (total + _C - 1) // _C
    kw = (nchunks - sid + _NS - 1) // _NS

    bufs = (buf0, buf1)
    sems = (sem0, sem1)

    def copy_of(k, slot):
        row0 = (sid + k * _NS) * _C
        return pltpu.make_async_copy(
            x_hbm.at[pl.ds(row0, _C), pl.ds(col0, _H)], bufs[slot],
            sems[slot]
        )

    @pl.when(kw > 0)
    def _():
        copy_of(0, 0).start()

    def process(k, slot):
        buf = bufs[slot]
        row0 = (sid + k * _NS) * _C

        @pl.when(k + 1 < kw)
        def _():
            copy_of(k + 1, 1 - slot).start()

        copy_of(k, slot).wait()
        row1 = jnp.minimum(row0 + _C, total)
        s0 = jnp.sum(jnp.where(csum <= row0, 1, 0))

        def run_cond(st):
            return st[1] < row1

        def run_body(st):
            s, a = st
            end_s = jnp.max(jnp.where(lane == s, csum, 0))
            b = jnp.minimum(end_s, row1)

            def rbody(rr, carry):
                return tuple(
                    carry[j] + buf[rr, pl.ds(j * _L, _L)]
                    for j in range(_HV)
                )

            run = lax.fori_loop(a - row0, b - row0, rbody, (zero,) * _HV)
            for j in range(_HV):
                o = j * _L
                acc[s, pl.ds(o, _L)] = acc[s, pl.ds(o, _L)] + run[j]
            return (s + 1, b)

        lax.while_loop(run_cond, run_body, (s0, row0))

    def pair_body(i, c):
        k = i * 2
        for slot in range(2):
            @pl.when(k + slot < kw)
            def _():
                process(k + slot, slot)
        return c

    lax.fori_loop(0, (kw + 1) // 2, pair_body, 0)

    for s in range(_B):
        pltpu.sync_copy(acc.at[s], shared.at[s, sid])
    plsc.subcore_barrier()
    plsc.subcore_barrier()

    pltpu.sync_copy(shared.at[sid], rows16)

    def fbody(w, carry):
        return tuple(
            carry[j] + rows16[w, pl.ds(j * _L, _L)] for j in range(_HV)
        )

    tot = lax.fori_loop(0, _NS, fbody, (zero,) * _HV)
    cnt = jnp.max(jnp.where(lane == sid, jnp.maximum(lens, 1), 0))
    cnt_vec = jnp.full((_L,), cnt, jnp.int32).astype(jnp.float32)
    recip = jnp.ones((_L,), jnp.float32) / cnt_vec
    for j in range(_HV):
        rows16[0, pl.ds(j * _L, _L)] = tot[j] * recip
    pltpu.sync_copy(rows16.at[0], out_hbm.at[sid, pl.ds(col0, _H)])


_mesh = plsc.VectorSubcoreMesh(core_axis_name="c", subcore_axis_name="s")
_params = pltpu.CompilerParams(needs_layout_passes=False)

_sum_call = pl.kernel(
    _sum_body,
    out_type=jax.ShapeDtypeStruct((_B, _D), jnp.float32),
    mesh=_mesh,
    compiler_params=_params,
    scratch_types=[
        pltpu.VMEM((_L,), jnp.int32),
        pltpu.VMEM((_C, _H), jnp.float32),
        pltpu.VMEM((_C, _H), jnp.float32),
        pltpu.VMEM((_B, _H), jnp.float32),
        pltpu.VMEM((_NS, _H), jnp.float32),
        pltpu.VMEM_SHARED((_B, _NS, _H), jnp.float32),
        pltpu.SemaphoreType.DMA,
        pltpu.SemaphoreType.DMA,
    ],
)


def kernel(x, batch_lengths):
    return _sum_call(x, batch_lengths)

# --- scband reference (transcript-rebuilt; emitter-appended) ---
"""Pipeline reference for scband-global-average-block-49555332661495 (READ-ONLY COPY).

The authoritative reference and input builder live on the scoring server;
editing this copy changes nothing except your own understanding.
"""

import jax, jax.numpy as jnp
import numpy as np

N = 32768
B = 16
D = 256

def setup_inputs(seed: int = 0) -> dict:
    key = jax.random.key(seed)
    k1, k2 = jax.random.split(key)
    x = jax.random.normal(k1, (N, D), dtype=jnp.float32)
    # lengths in [1, 2048) so every segment is non-empty and sum(lengths) <= N
    batch_lengths = jax.random.randint(k2, (B,), 1, 2048, dtype=jnp.int32)
    return {"x": x, "batch_lengths": batch_lengths}

def reference(x, batch_lengths):
    # Faithful translation of global_average: mean over contiguous segments of x
    # defined by batch_lengths, expressed as a segment reduction (SparseCore-friendly).
    n = x.shape[0]
    b = batch_lengths.shape[0]
    offsets = jnp.cumsum(batch_lengths)
    idx = jnp.arange(n)
    # elements beyond sum(lengths) get segment id == b and are dropped by num_segments=b
    segment_ids = jnp.searchsorted(offsets, idx, side='right')
    sums = jax.ops.segment_sum(x, segment_ids, num_segments=b)
    counts = jnp.maximum(batch_lengths, 1).astype(x.dtype)
    means = sums / counts[:, None]
    return means

if __name__ == "__main__":
    import jax
    _d = setup_inputs()
    print(jax.jit(kernel)(*tuple(_d.values())))

</pallas_src>

<mosaic_0001>
#map = affine_map<(d0, d1) -> (0, 0)>
#map1 = affine_map<(d0, d1) -> (0)>
module attributes {stable_mosaic.version = 14 : i64} {
  func.func @_sum_body(%arg0: i32, %arg1: i32, %arg2: memref<32768x256xf32, #tpu.memory_space<hbm>>, %arg3: memref<16xi32, #tpu.memory_space<hbm>>, %arg4: memref<16x256xf32, #tpu.memory_space<hbm>>, %arg5: memref<16xi32, #tpu.memory_space<vmem>>, %arg6: memref<256x128xf32, #tpu.memory_space<vmem>>, %arg7: memref<256x128xf32, #tpu.memory_space<vmem>>, %arg8: memref<16x128xf32, #tpu.memory_space<vmem>>, %arg9: memref<16x128xf32, #tpu.memory_space<vmem>>, %arg10: memref<16x16x128xf32, #tpu.memory_space<vmem_shared>>, %arg11: memref<!tpu.dma_semaphore, #tpu.memory_space<semaphore_mem>>, %arg12: memref<!tpu.dma_semaphore, #tpu.memory_space<semaphore_mem>>) attributes {dimension_semantics = [#tpu.dimension_semantics<core_parallel>, #tpu.dimension_semantics<subcore_parallel>], iteration_bounds = array<i64: 2, 16>, scalar_prefetch = 0 : i64, scratch_operands = 8 : i64, tpu.core_type = #tpu.core_type<sc_vector_subcore>, window_params = [{transform_indices = #map}, {transform_indices = #map1}, {transform_indices = #map}]} {
    %mul3A = arith.constant 128 : i32
    %mul3A_0 = arith.muli %arg0, %mul3A : i32
    "tpu.region"() ({
      %run_scoped3A_199 = tpu.sem_alloc : memref<!tpu.dma_semaphore, #tpu.memory_space<semaphore_mem>>
      tpu.enqueue_dma source(%arg3 : memref<16xi32, #tpu.memory_space<hbm>>) target(%arg5 : memref<16xi32, #tpu.memory_space<vmem>>) target_semaphore(%run_scoped3A_199 : memref<!tpu.dma_semaphore, #tpu.memory_space<semaphore_mem>>)
      tpu.wait_dma2 semaphore(%run_scoped3A_199 : memref<!tpu.dma_semaphore, #tpu.memory_space<semaphore_mem>>) src(%arg3 : memref<16xi32, #tpu.memory_space<hbm>>) dst(%arg5 : memref<16xi32, #tpu.memory_space<vmem>>)
      tpu.yield
    }) : () -> ()
    %get3A = arith.constant 0 : index
    %get3A_1 = tpu.vector_load %arg5[%get3A] {strides = array<i32>} : memref<16xi32, #tpu.memory_space<vmem>>, vector<16xi32>,
    %broadcast_in_dim3A = arith.constant true
    %broadcast_in_dim3A_2 = vector.broadcast %broadcast_in_dim3A : i1 to vector<16xi1>
    %masked_cumsum3A = tpu.scan <sum>, %get3A_1 masked %broadcast_in_dim3A_2 : vector<16xi32>, vector<16xi1> -> vector<16xi32>
    %reduce_max3A = arith.constant true
    %reduce_max3A_3 = vector.broadcast %reduce_max3A : i1 to vector<16xi1>
    %reduce_max3A_4 = arith.constant -2147483648 : i32
    %reduce_max3A_5 = vector.broadcast %reduce_max3A_4 : i32 to vector<16xi32>
    %reduce_max3A_6 = arith.xori %masked_cumsum3A, %reduce_max3A_5 : vector<16xi32>
    %reduce_max3A_7 = tpu.scan <max>, %reduce_max3A_6 masked %reduce_max3A_3 : vector<16xi32>, vector<16xi1> -> vector<16xi32>
    %reduce_max3A_8 = arith.xori %reduce_max3A_7, %reduce_max3A_5 : vector<16xi32>
    %reduce_max3A_9 = vector.extract %reduce_max3A_8[15] : i32 from vector<16xi32>
    %iota3A = tpu.iota {dimensions = array<i32: 0>} : vector<16xi32>
    %broadcast_in_dim3A_10 = arith.constant 0.000000e+00 : f32
    %broadcast_in_dim3A_11 = vector.broadcast %broadcast_in_dim3A_10 : f32 to vector<16xf32>
    %scan3A = arith.constant 0 : i32
    %scan3A_12 = arith.constant 0 : i32
    %scan3A_13 = arith.constant 16 : i32
    %scan3A_14 = arith.addi %scan3A_12, %scan3A_13 : i32
    %scan3A_15 = arith.constant 1 : i32
    scf.for %scan3A_199 = %scan3A_12 to %scan3A_14 step %scan3A_15  : i32 {
      %swap3A_200 = arith.index_cast %scan3A_199 : i32 to index
      %swap3A_201 = arith.constant 0 : index
      %swap3A_202 = tpu.vector_load %arg8[%swap3A_200, %swap3A_201] {strides = array<i32>} : memref<16x128xf32, #tpu.memory_space<vmem>>, vector<16xf32>,
      tpu.vector_store %arg8[%swap3A_200, %swap3A_201], %broadcast_in_dim3A_11 {strides = array<i32>} : memref<16x128xf32, #tpu.memory_space<vmem>>, vector<16xf32>,
      %swap3A_203 = arith.index_cast %scan3A_199 : i32 to index
      %swap3A_204 = arith.constant 16 : index
      %swap3A_205 = tpu.vector_load %arg8[%swap3A_203, %swap3A_204] {strides = array<i32>} : memref<16x128xf32, #tpu.memory_space<vmem>>, vector<16xf32>,
      tpu.vector_store %arg8[%swap3A_203, %swap3A_204], %broadcast_in_dim3A_11 {strides = array<i32>} : memref<16x128xf32, #tpu.memory_space<vmem>>, vector<16xf32>,
      %swap3A_206 = arith.index_cast %scan3A_199 : i32 to index
      %swap3A_207 = arith.constant 32 : index
      %swap3A_208 = tpu.vector_load %arg8[%swap3A_206, %swap3A_207] {strides = array<i32>} : memref<16x128xf32, #tpu.memory_space<vmem>>, vector<16xf32>,
      tpu.vector_store %arg8[%swap3A_206, %swap3A_207], %broadcast_in_dim3A_11 {strides = array<i32>} : memref<16x128xf32, #tpu.memory_space<vmem>>, vector<16xf32>,
      %swap3A_209 = arith.index_cast %scan3A_199 : i32 to index
      %swap3A_210 = arith.constant 48 : index
      %swap3A_211 = tpu.vector_load %arg8[%swap3A_209, %swap3A_210] {strides = array<i32>} : memref<16x128xf32, #tpu.memory_space<vmem>>, vector<16xf32>,
      tpu.vector_store %arg8[%swap3A_209, %swap3A_210], %broadcast_in_dim3A_11 {strides = array<i32>} : memref<16x128xf32, #tpu.memory_space<vmem>>, vector<16xf32>,
      %swap3A_212 = arith.index_cast %scan3A_199 : i32 to index
      %swap3A_213 = arith.constant 64 : index
      %swap3A_214 = tpu.vector_load %arg8[%swap3A_212, %swap3A_213] {strides = array<i32>} : memref<16x128xf32, #tpu.memory_space<vmem>>, vector<16xf32>,
      tpu.vector_store %arg8[%swap3A_212, %swap3A_213], %broadcast_in_dim3A_11 {strides = array<i32>} : memref<16x128xf32, #tpu.memory_space<vmem>>, vector<16xf32>,
      %swap3A_215 = arith.index_cast %scan3A_199 : i32 to index
      %swap3A_216 = arith.constant 80 : index
      %swap3A_217 = tpu.vector_load %arg8[%swap3A_215, %swap3A_216] {strides = array<i32>} : memref<16x128xf32, #tpu.memory_space<vmem>>, vector<16xf32>,
      tpu.vector_store %arg8[%swap3A_215, %swap3A_216], %broadcast_in_dim3A_11 {strides = array<i32>} : memref<16x128xf32, #tpu.memory_space<vmem>>, vector<16xf32>,
      %swap3A_218 = arith.index_cast %scan3A_199 : i32 to index
      %swap3A_219 = arith.constant 96 : index
      %swap3A_220 = tpu.vector_load %arg8[%swap3A_218, %swap3A_219] {strides = array<i32>} : memref<16x128xf32, #tpu.memory_space<vmem>>, vector<16xf32>,
      tpu.vector_store %arg8[%swap3A_218, %swap3A_219], %broadcast_in_dim3A_11 {strides = array<i32>} : memref<16x128xf32, #tpu.memory_space<vmem>>, vector<16xf32>,
      %swap3A_221 = arith.index_cast %scan3A_199 : i32 to index
      %swap3A_222 = arith.constant 112 : index
      %swap3A_223 = tpu.vector_load %arg8[%swap3A_221, %swap3A_222] {strides = array<i32>} : memref<16x128xf32, #tpu.memory_space<vmem>>, vector<16xf32>,
      tpu.vector_store %arg8[%swap3A_221, %swap3A_222], %broadcast_in_dim3A_11 {strides = array<i32>} : memref<16x128xf32, #tpu.memory_space<vmem>>, vector<16xf32>,
    }
    %scan3A_16 = arith.constant 16 : i32
    %add3A = arith.constant 256 : i32
    %add3A_17 = arith.addi %reduce_max3A_9, %add3A : i32
    %sub3A = arith.constant 1 : i32
    %sub3A_18 = arith.subi %add3A_17, %sub3A : i32
    %jit3A = arith.constant 256 : i32
    %div3A = arith.divsi %sub3A_18, %jit3A : i32
    %sign3A = arith.constant 0 : i32
    %sign3A_19 = arith.cmpi sgt, %sub3A_18, %sign3A : i32
    %sign3A_20 = arith.extui %sign3A_19 : i1 to i32
    %sign3A_21 = arith.constant 0 : i32
    %sign3A_22 = arith.cmpi slt, %sub3A_18, %sign3A_21 : i32
    %sign3A_23 = arith.extui %sign3A_22 : i1 to i32
    %sign3A_24 = arith.subi %sign3A_20, %sign3A_23 : i32
    %sign3A_25 = arith.constant 0 : i32
    %sign3A_26 = arith.cmpi sgt, %jit3A, %sign3A_25 : i32
    %sign3A_27 = arith.extui %sign3A_26 : i1 to i32
    %sign3A_28 = arith.constant 0 : i32
    %sign3A_29 = arith.cmpi slt, %jit3A, %sign3A_28 : i32
    %sign3A_30 = arith.extui %sign3A_29 : i1 to i32
    %sign3A_31 = arith.subi %sign3A_27, %sign3A_30 : i32
    %ne3A = arith.cmpi ne, %sign3A_24, %sign3A_31 : i32
    %rem3A = arith.remsi %sub3A_18, %jit3A : i32
    %ne3A_32 = arith.constant 0 : i32
    %ne3A_33 = arith.cmpi ne, %rem3A, %ne3A_32 : i32
    %and3A = arith.andi %ne3A, %ne3A_33 : i1
    %sub3A_34 = arith.constant 1 : i32
    %sub3A_35 = arith.subi %div3A, %sub3A_34 : i32
    %select_n3A = arith.select %and3A, %sub3A_35, %div3A : i32
    %sub3A_36 = arith.subi %select_n3A, %arg1 : i32
    %add3A_37 = arith.constant 16 : i32
    %add3A_38 = arith.addi %sub3A_36, %add3A_37 : i32
    %sub3A_39 = arith.constant 1 : i32
    %sub3A_40 = arith.subi %add3A_38, %sub3A_39 : i32
    %jit3A_41 = arith.constant 16 : i32
    %div3A_42 = arith.divsi %sub3A_40, %jit3A_41 : i32
    %sign3A_43 = arith.constant 0 : i32
    %sign3A_44 = arith.cmpi sgt, %sub3A_40, %sign3A_43 : i32
    %sign3A_45 = arith.extui %sign3A_44 : i1 to i32
    %sign3A_46 = arith.constant 0 : i32
    %sign3A_47 = arith.cmpi slt, %sub3A_40, %sign3A_46 : i32
    %sign3A_48 = arith.extui %sign3A_47 : i1 to i32
    %sign3A_49 = arith.subi %sign3A_45, %sign3A_48 : i32
    %sign3A_50 = arith.constant 0 : i32
    %sign3A_51 = arith.cmpi sgt, %jit3A_41, %sign3A_50 : i32
    %sign3A_52 = arith.extui %sign3A_51 : i1 to i32
    %sign3A_53 = arith.constant 0 : i32
    %sign3A_54 = arith.cmpi slt, %jit3A_41, %sign3A_53 : i32
    %sign3A_55 = arith.extui %sign3A_54 : i1 to i32
    %sign3A_56 = arith.subi %sign3A_52, %sign3A_55 : i32
    %ne3A_57 = arith.cmpi ne, %sign3A_49, %sign3A_56 : i32
    %rem3A_58 = arith.remsi %sub3A_40, %jit3A_41 : i32
    %ne3A_59 = arith.constant 0 : i32
    %ne3A_60 = arith.cmpi ne, %rem3A_58, %ne3A_59 : i32
    %and3A_61 = arith.andi %ne3A_57, %ne3A_60 : i1
    %sub3A_62 = arith.constant 1 : i32
    %sub3A_63 = arith.subi %div3A_42, %sub3A_62 : i32
    %select_n3A_64 = arith.select %and3A_61, %sub3A_63, %div3A_42 : i32
    %gt3A = arith.constant 0 : i32
    %gt3A_65 = arith.cmpi sgt, %select_n3A_64, %gt3A : i32
    %convert_element_type3A = arith.extui %gt3A_65 : i1 to i32
    %cond3A = arith.constant 0 : i32
    %cond3A_66 = arith.cmpi ne, %convert_element_type3A, %cond3A : i32
    scf.if %cond3A_66 {
      %add3A_199 = arith.constant 0 : i32
      %add3A_200 = arith.addi %arg1, %add3A_199 : i32
      %mul3A_201 = arith.constant 256 : i32
      %mul3A_202 = arith.muli %add3A_200, %mul3A_201 : i32
      %dma_start3A = tpu.memref_slice %arg2[%mul3A_202, %mul3A_0] : memref<32768x256xf32, #tpu.memory_space<hbm>> -> memref<256x128xf32, #tpu.memory_space<hbm>>
      %dma_start3A_203 = tpu.memref_slice %arg2[%mul3A_202, %mul3A_0] : memref<32768x256xf32, #tpu.memory_space<hbm>> -> memref<256x128xf32, #tpu.memory_space<hbm>>
      tpu.enqueue_dma source(%dma_start3A_203 : memref<256x128xf32, #tpu.memory_space<hbm>>) target(%arg6 : memref<256x128xf32, #tpu.memory_space<vmem>>) target_semaphore(%arg11 : memref<!tpu.dma_semaphore, #tpu.memory_space<semaphore_mem>>)
    } else {
    }
    %add3A_67 = arith.constant 1 : i32
    %add3A_68 = arith.addi %select_n3A_64, %add3A_67 : i32
    %jit3A_69 = arith.constant 2 : i32
    %div3A_70 = arith.divsi %add3A_68, %jit3A_69 : i32
    %sign3A_71 = arith.constant 0 : i32
    %sign3A_72 = arith.cmpi sgt, %add3A_68, %sign3A_71 : i32
    %sign3A_73 = arith.extui %sign3A_72 : i1 to i32
    %sign3A_74 = arith.constant 0 : i32
    %sign3A_75 = arith.cmpi slt, %add3A_68, %sign3A_74 : i32
    %sign3A_76 = arith.extui %sign3A_75 : i1 to i32
    %sign3A_77 = arith.subi %sign3A_73, %sign3A_76 : i32
    %sign3A_78 = arith.constant 0 : i32
    %sign3A_79 = arith.cmpi sgt, %jit3A_69, %sign3A_78 : i32
    %sign3A_80 = arith.extui %sign3A_79 : i1 to i32
    %sign3A_81 = arith.constant 0 : i32
    %sign3A_82 = arith.cmpi slt, %jit3A_69, %sign3A_81 : i32
    %sign3A_83 = arith.extui %sign3A_82 : i1 to i32
    %sign3A_84 = arith.subi %sign3A_80, %sign3A_83 : i32
    %ne3A_85 = arith.cmpi ne, %sign3A_77, %sign3A_84 : i32
    %rem3A_86 = arith.remsi %add3A_68, %jit3A_69 : i32
    %ne3A_87 = arith.constant 0 : i32
    %ne3A_88 = arith.cmpi ne, %rem3A_86, %ne3A_87 : i32
    %and3A_89 = arith.andi %ne3A_85, %ne3A_88 : i1
    %sub3A_90 = arith.constant 1 : i32
    %sub3A_91 = arith.subi %div3A_70, %sub3A_90 : i32
    %select_n3A_92 = arith.select %and3A_89, %sub3A_91, %div3A_70 : i32
    %while3A = arith.constant 0 : i32
    %while3A_93 = arith.constant 0 : i32
    %while3A_94 = arith.subi %select_n3A_92, %while3A_93 : i32
    %while3A_95 = arith.addi %while3A_93, %while3A_94 : i32
    %while3A_96 = arith.constant 1 : i32
    %while3A_97 = arith.divsi %while3A_94, %while3A_96 : i32
    %while3A_98 = arith.muli %while3A_97, %while3A_96 : i32
    %while3A_99 = arith.addi %while3A_93, %while3A_98 : i32
    %while3A_100 = arith.constant 1 : i32
    scf.for %while3A_199 = %while3A_93 to %while3A_99 step %while3A_100  : i32 {
      %mul3A_200 = arith.constant 2 : i32
      %mul3A_201 = arith.muli %while3A_199, %mul3A_200 : i32
      %add3A_202 = arith.constant 0 : i32
      %add3A_203 = arith.addi %mul3A_201, %add3A_202 : i32
      %lt3A = arith.cmpi slt, %add3A_203, %select_n3A_64 : i32
      %convert_element_type3A_204 = arith.extui %lt3A : i1 to i32
      %cond3A_205 = arith.constant 0 : i32
      %cond3A_206 = arith.cmpi ne, %convert_element_type3A_204, %cond3A_205 : i32
      scf.if %cond3A_206 {
        %add3A_213 = arith.constant 0 : i32
        %add3A_214 = arith.addi %mul3A_201, %add3A_213 : i32
        %mul3A_215 = arith.constant 16 : i32
        %mul3A_216 = arith.muli %add3A_214, %mul3A_215 : i32
        %add3A_217 = arith.addi %arg1, %mul3A_216 : i32
        %mul3A_218 = arith.constant 256 : i32
        %mul3A_219 = arith.muli %add3A_217, %mul3A_218 : i32
        %add3A_220 = arith.constant 1 : i32
        %add3A_221 = arith.addi %add3A_214, %add3A_220 : i32
        %lt3A_222 = arith.cmpi slt, %add3A_221, %select_n3A_64 : i32
        %convert_element_type3A_223 = arith.extui %lt3A_222 : i1 to i32
        %cond3A_224 = arith.constant 0 : i32
        %cond3A_225 = arith.cmpi ne, %convert_element_type3A_223, %cond3A_224 : i32
        scf.if %cond3A_225 {
          %add3A_244 = arith.constant 1 : i32
          %add3A_245 = arith.addi %add3A_214, %add3A_244 : i32
          %mul3A_246 = arith.constant 16 : i32
          %mul3A_247 = arith.muli %add3A_245, %mul3A_246 : i32
          %add3A_248 = arith.addi %arg1, %mul3A_247 : i32
          %mul3A_249 = arith.constant 256 : i32
          %mul3A_250 = arith.muli %add3A_248, %mul3A_249 : i32
          %dma_start3A = tpu.memref_slice %arg2[%mul3A_250, %mul3A_0] : memref<32768x256xf32, #tpu.memory_space<hbm>> -> memref<256x128xf32, #tpu.memory_space<hbm>>
          %dma_start3A_251 = tpu.memref_slice %arg2[%mul3A_250, %mul3A_0] : memref<32768x256xf32, #tpu.memory_space<hbm>> -> memref<256x128xf32, #tpu.memory_space<hbm>>
          tpu.enqueue_dma source(%dma_start3A_251 : memref<256x128xf32, #tpu.memory_space<hbm>>) target(%arg7 : memref<256x128xf32, #tpu.memory_space<vmem>>) target_semaphore(%arg12 : memref<!tpu.dma_semaphore, #tpu.memory_space<semaphore_mem>>)
        } else {
        }
        %mul3A_226 = arith.constant 16 : i32
        %mul3A_227 = arith.muli %add3A_214, %mul3A_226 : i32
        %add3A_228 = arith.addi %arg1, %mul3A_227 : i32
        %mul3A_229 = arith.constant 256 : i32
        %mul3A_230 = arith.muli %add3A_228, %mul3A_229 : i32
        %dma_wait3A = tpu.memref_slice %arg2[%mul3A_230, %mul3A_0] : memref<32768x256xf32, #tpu.memory_space<hbm>> -> memref<256x128xf32, #tpu.memory_space<hbm>>
        %dma_wait3A_231 = tpu.memref_slice %arg2[%mul3A_230, %mul3A_0] : memref<32768x256xf32, #tpu.memory_space<hbm>> -> memref<256x128xf32, #tpu.memory_space<hbm>>
        tpu.wait_dma2 semaphore(%arg11 : memref<!tpu.dma_semaphore, #tpu.memory_space<semaphore_mem>>) src(%dma_wait3A_231 : memref<256x128xf32, #tpu.memory_space<hbm>>) dst(%arg6 : memref<256x128xf32, #tpu.memory_space<vmem>>)
        %add3A_232 = arith.constant 256 : i32
        %add3A_233 = arith.addi %mul3A_219, %add3A_232 : i32
        %min3A = arith.minsi %add3A_233, %reduce_max3A_9 : i32
        %le3A = vector.broadcast %mul3A_219 : i32 to vector<16xi32>
        %le3A_234 = arith.cmpi sle, %masked_cumsum3A, %le3A : vector<16xi32>
        %jit3A_235 = arith.constant 1 : i32
        %jit3A_236 = arith.constant 0 : i32
        %broadcast_in_dim3A_237 = vector.broadcast %jit3A_235 : i32 to vector<16xi32>
        %broadcast_in_dim3A_238 = vector.broadcast %jit3A_236 : i32 to vector<16xi32>
        %select_n3A_239 = arith.select %le3A_234, %broadcast_in_dim3A_237, %broadcast_in_dim3A_238 : vector<16xi1>, vector<16xi32>
        %reduce_sum3A = arith.constant true
        %reduce_sum3A_240 = vector.broadcast %reduce_sum3A : i1 to vector<16xi1>
        %reduce_sum3A_241 = tpu.scan <sum>, %select_n3A_239 masked %reduce_sum3A_240 : vector<16xi32>, vector<16xi1> -> vector<16xi32>
        %reduce_sum3A_242 = vector.extract %reduce_sum3A_241[15] : i32 from vector<16xi32>
        %while3A_243:2 = scf.while (%while3A_244 = %reduce_sum3A_242, %while3A_245 = %mul3A_219) : (i32, i32) -> (i32, i32) {
          %lt3A_246 = arith.cmpi slt, %while3A_245, %min3A : i32
          scf.condition(%lt3A_246) %while3A_244, %while3A_245 : i32, i32
        } do {
        ^bb0(%while3A_244: i32, %while3A_245: i32):
          %eq3A_246 = vector.broadcast %while3A_244 : i32 to vector<16xi32>
          %eq3A_247 = arith.cmpi eq, %iota3A, %eq3A_246 : vector<16xi32>
          %jit3A_248 = arith.constant 0 : i32
          %broadcast_in_dim3A_249 = vector.broadcast %jit3A_248 : i32 to vector<16xi32>
          %select_n3A_250 = arith.select %eq3A_247, %masked_cumsum3A, %broadcast_in_dim3A_249 : vector<16xi1>, vector<16xi32>
          %reduce_max3A_251 = arith.constant true
          %reduce_max3A_252 = vector.broadcast %reduce_max3A_251 : i1 to vector<16xi1>
          %reduce_max3A_253 = arith.constant -2147483648 : i32
          %reduce_max3A_254 = vector.broadcast %reduce_max3A_253 : i32 to vector<16xi32>
          %reduce_max3A_255 = arith.xori %select_n3A_250, %reduce_max3A_254 : vector<16xi32>
          %reduce_max3A_256 = tpu.scan <max>, %reduce_max3A_255 masked %reduce_max3A_252 : vector<16xi32>, vector<16xi1> -> vector<16xi32>
          %reduce_max3A_257 = arith.xori %reduce_max3A_256, %reduce_max3A_254 : vector<16xi32>
          %reduce_max3A_258 = vector.extract %reduce_max3A_257[15] : i32 from vector<16xi32>
          %min3A_259 = arith.minsi %reduce_max3A_258, %min3A : i32
          %sub3A_260 = arith.subi %while3A_245, %mul3A_219 : i32
          %sub3A_261 = arith.subi %min3A_259, %mul3A_219 : i32
          %while3A_262 = arith.subi %sub3A_261, %sub3A_260 : i32
          %while3A_263 = arith.addi %sub3A_260, %while3A_262 : i32
          %while3A_264 = arith.constant 1 : i32
          %while3A_265 = arith.divsi %while3A_262, %while3A_264 : i32
          %while3A_266 = arith.muli %while3A_265, %while3A_264 : i32
          %while3A_267 = arith.addi %sub3A_260, %while3A_266 : i32
          %while3A_268 = arith.constant 1 : i32
          %while3A_269:8 = scf.for %while3A_330 = %sub3A_260 to %while3A_267 step %while3A_268 iter_args(%while3A_331 = %broadcast_in_dim3A_11, %while3A_332 = %broadcast_in_dim3A_11, %while3A_333 = %broadcast_in_dim3A_11, %while3A_334 = %broadcast_in_dim3A_11, %while3A_335 = %broadcast_in_dim3A_11, %while3A_336 = %broadcast_in_dim3A_11, %while3A_337 = %broadcast_in_dim3A_11, %while3A_338 = %broadcast_in_dim3A_11) -> (vector<16xf32>, vector<16xf32>, vector<16xf32>, vector<16xf32>, vector<16xf32>, vector<16xf32>, vector<16xf32>, vector<16xf32>)  : i32 {
            %get3A_339 = arith.index_cast %while3A_330 : i32 to index
            %get3A_340 = arith.constant 0 : index
            %get3A_341 = tpu.vector_load %arg6[%get3A_339, %get3A_340] {strides = array<i32>} : memref<256x128xf32, #tpu.memory_space<vmem>>, vector<16xf32>,
            %add3A_342 = arith.addf %while3A_331, %get3A_341 : vector<16xf32>
            %get3A_343 = arith.index_cast %while3A_330 : i32 to index
            %get3A_344 = arith.constant 16 : index
            %get3A_345 = tpu.vector_load %arg6[%get3A_343, %get3A_344] {strides = array<i32>} : memref<256x128xf32, #tpu.memory_space<vmem>>, vector<16xf32>,
            %add3A_346 = arith.addf %while3A_332, %get3A_345 : vector<16xf32>
            %get3A_347 = arith.index_cast %while3A_330 : i32 to index
            %get3A_348 = arith.constant 32 : index
            %get3A_349 = tpu.vector_load %arg6[%get3A_347, %get3A_348] {strides = array<i32>} : memref<256x128xf32, #tpu.memory_space<vmem>>, vector<16xf32>,
            %add3A_350 = arith.addf %while3A_333, %get3A_349 : vector<16xf32>
            %get3A_351 = arith.index_cast %while3A_330 : i32 to index
            %get3A_352 = arith.constant 48 : index
            %get3A_353 = tpu.vector_load %arg6[%get3A_351, %get3A_352] {strides = array<i32>} : memref<256x128xf32, #tpu.memory_space<vmem>>, vector<16xf32>,
            %add3A_354 = arith.addf %while3A_334, %get3A_353 : vector<16xf32>
            %get3A_355 = arith.index_cast %while3A_330 : i32 to index
            %get3A_356 = arith.constant 64 : index
            %get3A_357 = tpu.vector_load %arg6[%get3A_355, %get3A_356] {strides = array<i32>} : memref<256x128xf32, #tpu.memory_space<vmem>>, vector<16xf32>,
            %add3A_358 = arith.addf %while3A_335, %get3A_357 : vector<16xf32>
            %get3A_359 = arith.index_cast %while3A_330 : i32 to index
            %get3A_360 = arith.constant 80 : index
            %get3A_361 = tpu.vector_load %arg6[%get3A_359, %get3A_360] {strides = array<i32>} : memref<256x128xf32, #tpu.memory_space<vmem>>, vector<16xf32>,
            %add3A_362 = arith.addf %while3A_336, %get3A_361 : vector<16xf32>
            %get3A_363 = arith.index_cast %while3A_330 : i32 to index
            %get3A_364 = arith.constant 96 : index
            %get3A_365 = tpu.vector_load %arg6[%get3A_363, %get3A_364] {strides = array<i32>} : memref<256x128xf32, #tpu.memory_space<vmem>>, vector<16xf32>,
            %add3A_366 = arith.addf %while3A_337, %get3A_365 : vector<16xf32>
            %get3A_367 = arith.index_cast %while3A_330 : i32 to index
            %get3A_368 = arith.constant 112 : index
            %get3A_369 = tpu.vector_load %arg6[%get3A_367, %get3A_368] {strides = array<i32>} : memref<256x128xf32, #tpu.memory_space<vmem>>, vector<16xf32>,
            %add3A_370 = arith.addf %while3A_338, %get3A_369 : vector<16xf32>
            scf.yield %add3A_342, %add3A_346, %add3A_350, %add3A_354, %add3A_358, %add3A_362, %add3A_366, %add3A_370 : vector<16xf32>, vector<16xf32>, vector<16xf32>, vector<16xf32>, vector<16xf32>, vector<16xf32>, vector<16xf32>, vector<16xf32>
          }
          %while3A_270 = arith.constant 1 : i32
          %while3A_271:8 = scf.for %while3A_330 = %while3A_267 to %while3A_263 step %while3A_270 iter_args(%while3A_331 = %while3A_269#0, %while3A_332 = %while3A_269#1, %while3A_333 = %while3A_269#2, %while3A_334 = %while3A_269#3, %while3A_335 = %while3A_269#4, %while3A_336 = %while3A_269#5, %while3A_337 = %while3A_269#6, %while3A_338 = %while3A_269#7) -> (vector<16xf32>, vector<16xf32>, vector<16xf32>, vector<16xf32>, vector<16xf32>, vector<16xf32>, vector<16xf32>, vector<16xf32>)  : i32 {
            %get3A_339 = arith.index_cast %while3A_330 : i32 to index
            %get3A_340 = arith.constant 0 : index
            %get3A_341 = tpu.vector_load %arg6[%get3A_339, %get3A_340] {strides = array<i32>} : memref<256x128xf32, #tpu.memory_space<vmem>>, vector<16xf32>,
            %add3A_342 = arith.addf %while3A_331, %get3A_341 : vector<16xf32>
            %get3A_343 = arith.index_cast %while3A_330 : i32 to index
            %get3A_344 = arith.constant 16 : index
            %get3A_345 = tpu.vector_load %arg6[%get3A_343, %get3A_344] {strides = array<i32>} : memref<256x128xf32, #tpu.memory_space<vmem>>, vector<16xf32>,
            %add3A_346 = arith.addf %while3A_332, %get3A_345 : vector<16xf32>
            %get3A_347 = arith.index_cast %while3A_330 : i32 to index
            %get3A_348 = arith.constant 32 : index
            %get3A_349 = tpu.vector_load %arg6[%get3A_347, %get3A_348] {strides = array<i32>} : memref<256x128xf32, #tpu.memory_space<vmem>>, vector<16xf32>,
            %add3A_350 = arith.addf %while3A_333, %get3A_349 : vector<16xf32>
            %get3A_351 = arith.index_cast %while3A_330 : i32 to index
            %get3A_352 = arith.constant 48 : index
            %get3A_353 = tpu.vector_load %arg6[%get3A_351, %get3A_352] {strides = array<i32>} : memref<256x128xf32, #tpu.memory_space<vmem>>, vector<16xf32>,
            %add3A_354 = arith.addf %while3A_334, %get3A_353 : vector<16xf32>
            %get3A_355 = arith.index_cast %while3A_330 : i32 to index
            %get3A_356 = arith.constant 64 : index
            %get3A_357 = tpu.vector_load %arg6[%get3A_355, %get3A_356] {strides = array<i32>} : memref<256x128xf32, #tpu.memory_space<vmem>>, vector<16xf32>,
            %add3A_358 = arith.addf %while3A_335, %get3A_357 : vector<16xf32>
            %get3A_359 = arith.index_cast %while3A_330 : i32 to index
            %get3A_360 = arith.constant 80 : index
            %get3A_361 = tpu.vector_load %arg6[%get3A_359, %get3A_360] {strides = array<i32>} : memref<256x128xf32, #tpu.memory_space<vmem>>, vector<16xf32>,
            %add3A_362 = arith.addf %while3A_336, %get3A_361 : vector<16xf32>
            %get3A_363 = arith.index_cast %while3A_330 : i32 to index
            %get3A_364 = arith.constant 96 : index
            %get3A_365 = tpu.vector_load %arg6[%get3A_363, %get3A_364] {strides = array<i32>} : memref<256x128xf32, #tpu.memory_space<vmem>>, vector<16xf32>,
            %add3A_366 = arith.addf %while3A_337, %get3A_365 : vector<16xf32>
            %get3A_367 = arith.index_cast %while3A_330 : i32 to index
            %get3A_368 = arith.constant 112 : index
            %get3A_369 = tpu.vector_load %arg6[%get3A_367, %get3A_368] {strides = array<i32>} : memref<256x128xf32, #tpu.memory_space<vmem>>, vector<16xf32>,
            %add3A_370 = arith.addf %while3A_338, %get3A_369 : vector<16xf32>
            scf.yield %add3A_342, %add3A_346, %add3A_350, %add3A_354, %add3A_358, %add3A_362, %add3A_366, %add3A_370 : vector<16xf32>, vector<16xf32>, vector<16xf32>, vector<16xf32>, vector<16xf32>, vector<16xf32>, vector<16xf32>, vector<16xf32>
          }
          %get3A_272 = arith.index_cast %while3A_244 : i32 to index
          %get3A_273 = arith.constant 0 : index
          %get3A_274 = tpu.vector_load %arg8[%get3A_272, %get3A_273] {strides = array<i32>} : memref<16x128xf32, #tpu.memory_space<vmem>>, vector<16xf32>,
          %add3A_275 = arith.addf %get3A_274, %while3A_271#0 : vector<16xf32>
          %swap3A_276 = arith.index_cast %while3A_244 : i32 to index
          %swap3A_277 = arith.constant 0 : index
          %swap3A_278 = tpu.vector_load %arg8[%swap3A_276, %swap3A_277] {strides = array<i32>} : memref<16x128xf32, #tpu.memory_space<vmem>>, vector<16xf32>,
          tpu.vector_store %arg8[%swap3A_276, %swap3A_277], %add3A_275 {strides = array<i32>} : memref<16x128xf32, #tpu.memory_space<vmem>>, vector<16xf32>,
          %get3A_279 = arith.index_cast %while3A_244 : i32 to index
          %get3A_280 = arith.constant 16 : index
          %get3A_281 = tpu.vector_load %arg8[%get3A_279, %get3A_280] {strides = array<i32>} : memref<16x128xf32, #tpu.memory_space<vmem>>, vector<16xf32>,
          %add3A_282 = arith.addf %get3A_281, %while3A_271#1 : vector<16xf32>
          %swap3A_283 = arith.index_cast %while3A_244 : i32 to index
          %swap3A_284 = arith.constant 16 : index
          %swap3A_285 = tpu.vector_load %arg8[%swap3A_283, %swap3A_284] {strides = array<i32>} : memref<16x128xf32, #tpu.memory_space<vmem>>, vector<16xf32>,
          tpu.vector_store %arg8[%swap3A_283, %swap3A_284], %add3A_282 {strides = array<i32>} : memref<16x128xf32, #tpu.memory_space<vmem>>, vector<16xf32>,
          %get3A_286 = arith.index_cast %while3A_244 : i32 to index
          %get3A_287 = arith.constant 32 : index
          %get3A_288 = tpu.vector_load %arg8[%get3A_286, %get3A_287] {strides = array<i32>} : memref<16x128xf32, #tpu.memory_space<vmem>>, vector<16xf32>,
          %add3A_289 = arith.addf %get3A_288, %while3A_271#2 : vector<16xf32>
          %swap3A_290 = arith.index_cast %while3A_244 : i32 to index
          %swap3A_291 = arith.constant 32 : index
          %swap3A_292 = tpu.vector_load %arg8[%swap3A_290, %swap3A_291] {strides = array<i32>} : memref<16x128xf32, #tpu.memory_space<vmem>>, vector<16xf32>,
          tpu.vector_store %arg8[%swap3A_290, %swap3A_291], %add3A_289 {strides = array<i32>} : memref<16x128xf32, #tpu.memory_space<vmem>>, vector<16xf32>,
          %get3A_293 = arith.index_cast %while3A_244 : i32 to index
          %get3A_294 = arith.constant 48 : index
          %get3A_295 = tpu.vector_load %arg8[%get3A_293, %get3A_294] {strides = array<i32>} : memref<16x128xf32, #tpu.memory_space<vmem>>, vector<16xf32>,
          %add3A_296 = arith.addf %get3A_295, %while3A_271#3 : vector<16xf32>
          %swap3A_297 = arith.index_cast %while3A_244 : i32 to index
          %swap3A_298 = arith.constant 48 : index
          %swap3A_299 = tpu.vector_load %arg8[%swap3A_297, %swap3A_298] {strides = array<i32>} : memref<16x128xf32, #tpu.memory_space<vmem>>, vector<16xf32>,
          tpu.vector_store %arg8[%swap3A_297, %swap3A_298], %add3A_296 {strides = array<i32>} : memref<16x128xf32, #tpu.memory_space<vmem>>, vector<16xf32>,
          %get3A_300 = arith.index_cast %while3A_244 : i32 to index
          %get3A_301 = arith.constant 64 : index
          %get3A_302 = tpu.vector_load %arg8[%get3A_300, %get3A_301] {strides = array<i32>} : memref<16x128xf32, #tpu.memory_space<vmem>>, vector<16xf32>,
          %add3A_303 = arith.addf %get3A_302, %while3A_271#4 : vector<16xf32>
          %swap3A_304 = arith.index_cast %while3A_244 : i32 to index
          %swap3A_305 = arith.constant 64 : index
          %swap3A_306 = tpu.vector_load %arg8[%swap3A_304, %swap3A_305] {strides = array<i32>} : memref<16x128xf32, #tpu.memory_space<vmem>>, vector<16xf32>,
          tpu.vector_store %arg8[%swap3A_304, %swap3A_305], %add3A_303 {strides = array<i32>} : memref<16x128xf32, #tpu.memory_space<vmem>>, vector<16xf32>,
          %get3A_307 = arith.index_cast %while3A_244 : i32 to index
          %get3A_308 = arith.constant 80 : index
          %get3A_309 = tpu.vector_load %arg8[%get3A_307, %get3A_308] {strides = array<i32>} : memref<16x128xf32, #tpu.memory_space<vmem>>, vector<16xf32>,
          %add3A_310 = arith.addf %get3A_309, %while3A_271#5 : vector<16xf32>
          %swap3A_311 = arith.index_cast %while3A_244 : i32 to index
          %swap3A_312 = arith.constant 80 : index
          %swap3A_313 = tpu.vector_load %arg8[%swap3A_311, %swap3A_312] {strides = array<i32>} : memref<16x128xf32, #tpu.memory_space<vmem>>, vector<16xf32>,
          tpu.vector_store %arg8[%swap3A_311, %swap3A_312], %add3A_310 {strides = array<i32>} : memref<16x128xf32, #tpu.memory_space<vmem>>, vector<16xf32>,
          %get3A_314 = arith.index_cast %while3A_244 : i32 to index
          %get3A_315 = arith.constant 96 : index
          %get3A_316 = tpu.vector_load %arg8[%get3A_314, %get3A_315] {strides = array<i32>} : memref<16x128xf32, #tpu.memory_space<vmem>>, vector<16xf32>,
          %add3A_317 = arith.addf %get3A_316, %while3A_271#6 : vector<16xf32>
          %swap3A_318 = arith.index_cast %while3A_244 : i32 to index
          %swap3A_319 = arith.constant 96 : index
          %swap3A_320 = tpu.vector_load %arg8[%swap3A_318, %swap3A_319] {strides = array<i32>} : memref<16x128xf32, #tpu.memory_space<vmem>>, vector<16xf32>,
          tpu.vector_store %arg8[%swap3A_318, %swap3A_319], %add3A_317 {strides = array<i32>} : memref<16x128xf32, #tpu.memory_space<vmem>>, vector<16xf32>,
          %get3A_321 = arith.index_cast %while3A_244 : i32 to index
          %get3A_322 = arith.constant 112 : index
          %get3A_323 = tpu.vector_load %arg8[%get3A_321, %get3A_322] {strides = array<i32>} : memref<16x128xf32, #tpu.memory_space<vmem>>, vector<16xf32>,
          %add3A_324 = arith.addf %get3A_323, %while3A_271#7 : vector<16xf32>
          %swap3A_325 = arith.index_cast %while3A_244 : i32 to index
          %swap3A_326 = arith.constant 112 : index
          %swap3A_327 = tpu.vector_load %arg8[%swap3A_325, %swap3A_326] {strides = array<i32>} : memref<16x128xf32, #tpu.memory_space<vmem>>, vector<16xf32>,
          tpu.vector_store %arg8[%swap3A_325, %swap3A_326], %add3A_324 {strides = array<i32>} : memref<16x128xf32, #tpu.memory_space<vmem>>, vector<16xf32>,
          %add3A_328 = arith.constant 1 : i32
          %add3A_329 = arith.addi %while3A_244, %add3A_328 : i32
          scf.yield %add3A_329, %min3A_259 : i32, i32
        }
      } else {
      }
      %add3A_207 = arith.constant 1 : i32
      %add3A_208 = arith.addi %mul3A_201, %add3A_207 : i32
      %lt3A_209 = arith.cmpi slt, %add3A_208, %select_n3A_64 : i32
      %convert_element_type3A_210 = arith.extui %lt3A_209 : i1 to i32
      %cond3A_211 = arith.constant 0 : i32
      %cond3A_212 = arith.cmpi ne, %convert_element_type3A_210, %cond3A_211 : i32
      scf.if %cond3A_212 {
        %add3A_213 = arith.constant 1 : i32
        %add3A_214 = arith.addi %mul3A_201, %add3A_213 : i32
        %mul3A_215 = arith.constant 16 : i32
        %mul3A_216 = arith.muli %add3A_214, %mul3A_215 : i32
        %add3A_217 = arith.addi %arg1, %mul3A_216 : i32
        %mul3A_218 = arith.constant 256 : i32
        %mul3A_219 = arith.muli %add3A_217, %mul3A_218 : i32
        %add3A_220 = arith.constant 1 : i32
        %add3A_221 = arith.addi %add3A_214, %add3A_220 : i32
        %lt3A_222 = arith.cmpi slt, %add3A_221, %select_n3A_64 : i32
        %convert_element_type3A_223 = arith.extui %lt3A_222 : i1 to i32
        %cond3A_224 = arith.constant 0 : i32
        %cond3A_225 = arith.cmpi ne, %convert_element_type3A_223, %cond3A_224 : i32
        scf.if %cond3A_225 {
          %add3A_244 = arith.constant 1 : i32
          %add3A_245 = arith.addi %add3A_214, %add3A_244 : i32
          %mul3A_246 = arith.constant 16 : i32
          %mul3A_247 = arith.muli %add3A_245, %mul3A_246 : i32
          %add3A_248 = arith.addi %arg1, %mul3A_247 : i32
          %mul3A_249 = arith.constant 256 : i32
          %mul3A_250 = arith.muli %add3A_248, %mul3A_249 : i32
          %dma_start3A = tpu.memref_slice %arg2[%mul3A_250, %mul3A_0] : memref<32768x256xf32, #tpu.memory_space<hbm>> -> memref<256x128xf32, #tpu.memory_space<hbm>>
          %dma_start3A_251 = tpu.memref_slice %arg2[%mul3A_250, %mul3A_0] : memref<32768x256xf32, #tpu.memory_space<hbm>> -> memref<256x128xf32, #tpu.memory_space<hbm>>
          tpu.enqueue_dma source(%dma_start3A_251 : memref<256x128xf32, #tpu.memory_space<hbm>>) target(%arg6 : memref<256x128xf32, #tpu.memory_space<vmem>>) target_semaphore(%arg11 : memref<!tpu.dma_semaphore, #tpu.memory_space<semaphore_mem>>)
        } else {
        }
        %mul3A_226 = arith.constant 16 : i32
        %mul3A_227 = arith.muli %add3A_214, %mul3A_226 : i32
        %add3A_228 = arith.addi %arg1, %mul3A_227 : i32
        %mul3A_229 = arith.constant 256 : i32
        %mul3A_230 = arith.muli %add3A_228, %mul3A_229 : i32
        %dma_wait3A = tpu.memref_slice %arg2[%mul3A_230, %mul3A_0] : memref<32768x256xf32, #tpu.memory_space<hbm>> -> memref<256x128xf32, #tpu.memory_space<hbm>>
        %dma_wait3A_231 = tpu.memref_slice %arg2[%mul3A_230, %mul3A_0] : memref<32768x256xf32, #tpu.memory_space<hbm>> -> memref<256x128xf32, #tpu.memory_space<hbm>>
        tpu.wait_dma2 semaphore(%arg12 : memref<!tpu.dma_semaphore, #tpu.memory_space<semaphore_mem>>) src(%dma_wait3A_231 : memref<256x128xf32, #tpu.memory_space<hbm>>) dst(%arg7 : memref<256x128xf32, #tpu.memory_space<vmem>>)
        %add3A_232 = arith.constant 256 : i32
        %add3A_233 = arith.addi %mul3A_219, %add3A_232 : i32
        %min3A = arith.minsi %add3A_233, %reduce_max3A_9 : i32
        %le3A = vector.broadcast %mul3A_219 : i32 to vector<16xi32>
        %le3A_234 = arith.cmpi sle, %masked_cumsum3A, %le3A : vector<16xi32>
        %jit3A_235 = arith.constant 1 : i32
        %jit3A_236 = arith.constant 0 : i32
        %broadcast_in_dim3A_237 = vector.broadcast %jit3A_235 : i32 to vector<16xi32>
        %broadcast_in_dim3A_238 = vector.broadcast %jit3A_236 : i32 to vector<16xi32>
        %select_n3A_239 = arith.select %le3A_234, %broadcast_in_dim3A_237, %broadcast_in_dim3A_238 : vector<16xi1>, vector<16xi32>
        %reduce_sum3A = arith.constant true
        %reduce_sum3A_240 = vector.broadcast %reduce_sum3A : i1 to vector<16xi1>
        %reduce_sum3A_241 = tpu.scan <sum>, %select_n3A_239 masked %reduce_sum3A_240 : vector<16xi32>, vector<16xi1> -> vector<16xi32>
        %reduce_sum3A_242 = vector.extract %reduce_sum3A_241[15] : i32 from vector<16xi32>
        %while3A_243:2 = scf.while (%while3A_244 = %reduce_sum3A_242, %while3A_245 = %mul3A_219) : (i32, i32) -> (i32, i32) {
          %lt3A_246 = arith.cmpi slt, %while3A_245, %min3A : i32
          scf.condition(%lt3A_246) %while3A_244, %while3A_245 : i32, i32
        } do {
        ^bb0(%while3A_244: i32, %while3A_245: i32):
          %eq3A_246 = vector.broadcast %while3A_244 : i32 to vector<16xi32>
          %eq3A_247 = arith.cmpi eq, %iota3A, %eq3A_246 : vector<16xi32>
          %jit3A_248 = arith.constant 0 : i32
          %broadcast_in_dim3A_249 = vector.broadcast %jit3A_248 : i32 to vector<16xi32>
          %select_n3A_250 = arith.select %eq3A_247, %masked_cumsum3A, %broadcast_in_dim3A_249 : vector<16xi1>, vector<16xi32>
          %reduce_max3A_251 = arith.constant true
          %reduce_max3A_252 = vector.broadcast %reduce_max3A_251 : i1 to vector<16xi1>
          %reduce_max3A_253 = arith.constant -2147483648 : i32
          %reduce_max3A_254 = vector.broadcast %reduce_max3A_253 : i32 to vector<16xi32>
          %reduce_max3A_255 = arith.xori %select_n3A_250, %reduce_max3A_254 : vector<16xi32>
          %reduce_max3A_256 = tpu.scan <max>, %reduce_max3A_255 masked %reduce_max3A_252 : vector<16xi32>, vector<16xi1> -> vector<16xi32>
          %reduce_max3A_257 = arith.xori %reduce_max3A_256, %reduce_max3A_254 : vector<16xi32>
          %reduce_max3A_258 = vector.extract %reduce_max3A_257[15] : i32 from vector<16xi32>
          %min3A_259 = arith.minsi %reduce_max3A_258, %min3A : i32
          %sub3A_260 = arith.subi %while3A_245, %mul3A_219 : i32
          %sub3A_261 = arith.subi %min3A_259, %mul3A_219 : i32
          %while3A_262 = arith.subi %sub3A_261, %sub3A_260 : i32
          %while3A_263 = arith.addi %sub3A_260, %while3A_262 : i32
          %while3A_264 = arith.constant 1 : i32
          %while3A_265 = arith.divsi %while3A_262, %while3A_264 : i32
          %while3A_266 = arith.muli %while3A_265, %while3A_264 : i32
          %while3A_267 = arith.addi %sub3A_260, %while3A_266 : i32
          %while3A_268 = arith.constant 1 : i32
          %while3A_269:8 = scf.for %while3A_330 = %sub3A_260 to %while3A_267 step %while3A_268 iter_args(%while3A_331 = %broadcast_in_dim3A_11, %while3A_332 = %broadcast_in_dim3A_11, %while3A_333 = %broadcast_in_dim3A_11, %while3A_334 = %broadcast_in_dim3A_11, %while3A_335 = %broadcast_in_dim3A_11, %while3A_336 = %broadcast_in_dim3A_11, %while3A_337 = %broadcast_in_dim3A_11, %while3A_338 = %broadcast_in_dim3A_11) -> (vector<16xf32>, vector<16xf32>, vector<16xf32>, vector<16xf32>, vector<16xf32>, vector<16xf32>, vector<16xf32>, vector<16xf32>)  : i32 {
            %get3A_339 = arith.index_cast %while3A_330 : i32 to index
            %get3A_340 = arith.constant 0 : index
            %get3A_341 = tpu.vector_load %arg7[%get3A_339, %get3A_340] {strides = array<i32>} : memref<256x128xf32, #tpu.memory_space<vmem>>, vector<16xf32>,
            %add3A_342 = arith.addf %while3A_331, %get3A_341 : vector<16xf32>
            %get3A_343 = arith.index_cast %while3A_330 : i32 to index
            %get3A_344 = arith.constant 16 : index
            %get3A_345 = tpu.vector_load %arg7[%get3A_343, %get3A_344] {strides = array<i32>} : memref<256x128xf32, #tpu.memory_space<vmem>>, vector<16xf32>,
            %add3A_346 = arith.addf %while3A_332, %get3A_345 : vector<16xf32>
            %get3A_347 = arith.index_cast %while3A_330 : i32 to index
            %get3A_348 = arith.constant 32 : index
            %get3A_349 = tpu.vector_load %arg7[%get3A_347, %get3A_348] {strides = array<i32>} : memref<256x128xf32, #tpu.memory_space<vmem>>, vector<16xf32>,
            %add3A_350 = arith.addf %while3A_333, %get3A_349 : vector<16xf32>
            %get3A_351 = arith.index_cast %while3A_330 : i32 to index
            %get3A_352 = arith.constant 48 : index
            %get3A_353 = tpu.vector_load %arg7[%get3A_351, %get3A_352] {strides = array<i32>} : memref<256x128xf32, #tpu.memory_space<vmem>>, vector<16xf32>,
            %add3A_354 = arith.addf %while3A_334, %get3A_353 : vector<16xf32>
            %get3A_355 = arith.index_cast %while3A_330 : i32 to index
            %get3A_356 = arith.constant 64 : index
            %get3A_357 = tpu.vector_load %arg7[%get3A_355, %get3A_356] {strides = array<i32>} : memref<256x128xf32, #tpu.memory_space<vmem>>, vector<16xf32>,
            %add3A_358 = arith.addf %while3A_335, %get3A_357 : vector<16xf32>
            %get3A_359 = arith.index_cast %while3A_330 : i32 to index
            %get3A_360 = arith.constant 80 : index
            %get3A_361 = tpu.vector_load %arg7[%get3A_359, %get3A_360] {strides = array<i32>} : memref<256x128xf32, #tpu.memory_space<vmem>>, vector<16xf32>,
            %add3A_362 = arith.addf %while3A_336, %get3A_361 : vector<16xf32>
            %get3A_363 = arith.index_cast %while3A_330 : i32 to index
            %get3A_364 = arith.constant 96 : index
            %get3A_365 = tpu.vector_load %arg7[%get3A_363, %get3A_364] {strides = array<i32>} : memref<256x128xf32, #tpu.memory_space<vmem>>, vector<16xf32>,
            %add3A_366 = arith.addf %while3A_337, %get3A_365 : vector<16xf32>
            %get3A_367 = arith.index_cast %while3A_330 : i32 to index
            %get3A_368 = arith.constant 112 : index
            %get3A_369 = tpu.vector_load %arg7[%get3A_367, %get3A_368] {strides = array<i32>} : memref<256x128xf32, #tpu.memory_space<vmem>>, vector<16xf32>,
            %add3A_370 = arith.addf %while3A_338, %get3A_369 : vector<16xf32>
            scf.yield %add3A_342, %add3A_346, %add3A_350, %add3A_354, %add3A_358, %add3A_362, %add3A_366, %add3A_370 : vector<16xf32>, vector<16xf32>, vector<16xf32>, vector<16xf32>, vector<16xf32>, vector<16xf32>, vector<16xf32>, vector<16xf32>
          }
          %while3A_270 = arith.constant 1 : i32
          %while3A_271:8 = scf.for %while3A_330 = %while3A_267 to %while3A_263 step %while3A_270 iter_args(%while3A_331 = %while3A_269#0, %while3A_332 = %while3A_269#1, %while3A_333 = %while3A_269#2, %while3A_334 = %while3A_269#3, %while3A_335 = %while3A_269#4, %while3A_336 = %while3A_269#5, %while3A_337 = %while3A_269#6, %while3A_338 = %while3A_269#7) -> (vector<16xf32>, vector<16xf32>, vector<16xf32>, vector<16xf32>, vector<16xf32>, vector<16xf32>, vector<16xf32>, vector<16xf32>)  : i32 {
            %get3A_339 = arith.index_cast %while3A_330 : i32 to index
            %get3A_340 = arith.constant 0 : index
            %get3A_341 = tpu.vector_load %arg7[%get3A_339, %get3A_340] {strides = array<i32>} : memref<256x128xf32, #tpu.memory_space<vmem>>, vector<16xf32>,
            %add3A_342 = arith.addf %while3A_331, %get3A_341 : vector<16xf32>
            %get3A_343 = arith.index_cast %while3A_330 : i32 to index
            %get3A_344 = arith.constant 16 : index
            %get3A_345 = tpu.vector_load %arg7[%get3A_343, %get3A_344] {strides = array<i32>} : memref<256x128xf32, #tpu.memory_space<vmem>>, vector<16xf32>,
            %add3A_346 = arith.addf %while3A_332, %get3A_345 : vector<16xf32>
            %get3A_347 = arith.index_cast %while3A_330 : i32 to index
            %get3A_348 = arith.constant 32 : index
            %get3A_349 = tpu.vector_load %arg7[%get3A_347, %get3A_348] {strides = array<i32>} : memref<256x128xf32, #tpu.memory_space<vmem>>, vector<16xf32>,
            %add3A_350 = arith.addf %while3A_333, %get3A_349 : vector<16xf32>
            %get3A_351 = arith.index_cast %while3A_330 : i32 to index
            %get3A_352 = arith.constant 48 : index
            %get3A_353 = tpu.vector_load %arg7[%get3A_351, %get3A_352] {strides = array<i32>} : memref<256x128xf32, #tpu.memory_space<vmem>>, vector<16xf32>,
            %add3A_354 = arith.addf %while3A_334, %get3A_353 : vector<16xf32>
            %get3A_355 = arith.index_cast %while3A_330 : i32 to index
            %get3A_356 = arith.constant 64 : index
            %get3A_357 = tpu.vector_load %arg7[%get3A_355, %get3A_356] {strides = array<i32>} : memref<256x128xf32, #tpu.memory_space<vmem>>, vector<16xf32>,
            %add3A_358 = arith.addf %while3A_335, %get3A_357 : vector<16xf32>
            %get3A_359 = arith.index_cast %while3A_330 : i32 to index
            %get3A_360 = arith.constant 80 : index
            %get3A_361 = tpu.vector_load %arg7[%get3A_359, %get3A_360] {strides = array<i32>} : memref<256x128xf32, #tpu.memory_space<vmem>>, vector<16xf32>,
            %add3A_362 = arith.addf %while3A_336, %get3A_361 : vector<16xf32>
            %get3A_363 = arith.index_cast %while3A_330 : i32 to index
            %get3A_364 = arith.constant 96 : index
            %get3A_365 = tpu.vector_load %arg7[%get3A_363, %get3A_364] {strides = array<i32>} : memref<256x128xf32, #tpu.memory_space<vmem>>, vector<16xf32>,
            %add3A_366 = arith.addf %while3A_337, %get3A_365 : vector<16xf32>
            %get3A_367 = arith.index_cast %while3A_330 : i32 to index
            %get3A_368 = arith.constant 112 : index
            %get3A_369 = tpu.vector_load %arg7[%get3A_367, %get3A_368] {strides = array<i32>} : memref<256x128xf32, #tpu.memory_space<vmem>>, vector<16xf32>,
            %add3A_370 = arith.addf %while3A_338, %get3A_369 : vector<16xf32>
            scf.yield %add3A_342, %add3A_346, %add3A_350, %add3A_354, %add3A_358, %add3A_362, %add3A_366, %add3A_370 : vector<16xf32>, vector<16xf32>, vector<16xf32>, vector<16xf32>, vector<16xf32>, vector<16xf32>, vector<16xf32>, vector<16xf32>
          }
          %get3A_272 = arith.index_cast %while3A_244 : i32 to index
          %get3A_273 = arith.constant 0 : index
          %get3A_274 = tpu.vector_load %arg8[%get3A_272, %get3A_273] {strides = array<i32>} : memref<16x128xf32, #tpu.memory_space<vmem>>, vector<16xf32>,
          %add3A_275 = arith.addf %get3A_274, %while3A_271#0 : vector<16xf32>
          %swap3A_276 = arith.index_cast %while3A_244 : i32 to index
          %swap3A_277 = arith.constant 0 : index
          %swap3A_278 = tpu.vector_load %arg8[%swap3A_276, %swap3A_277] {strides = array<i32>} : memref<16x128xf32, #tpu.memory_space<vmem>>, vector<16xf32>,
          tpu.vector_store %arg8[%swap3A_276, %swap3A_277], %add3A_275 {strides = array<i32>} : memref<16x128xf32, #tpu.memory_space<vmem>>, vector<16xf32>,
          %get3A_279 = arith.index_cast %while3A_244 : i32 to index
          %get3A_280 = arith.constant 16 : index
          %get3A_281 = tpu.vector_load %arg8[%get3A_279, %get3A_280] {strides = array<i32>} : memref<16x128xf32, #tpu.memory_space<vmem>>, vector<16xf32>,
          %add3A_282 = arith.addf %get3A_281, %while3A_271#1 : vector<16xf32>
          %swap3A_283 = arith.index_cast %while3A_244 : i32 to index
          %swap3A_284 = arith.constant 16 : index
          %swap3A_285 = tpu.vector_load %arg8[%swap3A_283, %swap3A_284] {strides = array<i32>} : memref<16x128xf32, #tpu.memory_space<vmem>>, vector<16xf32>,
          tpu.vector_store %arg8[%swap3A_283, %swap3A_284], %add3A_282 {strides = array<i32>} : memref<16x128xf32, #tpu.memory_space<vmem>>, vector<16xf32>,
          %get3A_286 = arith.index_cast %while3A_244 : i32 to index
          %get3A_287 = arith.constant 32 : index
          %get3A_288 = tpu.vector_load %arg8[%get3A_286, %get3A_287] {strides = array<i32>} : memref<16x128xf32, #tpu.memory_space<vmem>>, vector<16xf32>,
          %add3A_289 = arith.addf %get3A_288, %while3A_271#2 : vector<16xf32>
          %swap3A_290 = arith.index_cast %while3A_244 : i32 to index
          %swap3A_291 = arith.constant 32 : index
          %swap3A_292 = tpu.vector_load %arg8[%swap3A_290, %swap3A_291] {strides = array<i32>} : memref<16x128xf32, #tpu.memory_space<vmem>>, vector<16xf32>,
          tpu.vector_store %arg8[%swap3A_290, %swap3A_291], %add3A_289 {strides = array<i32>} : memref<16x128xf32, #tpu.memory_space<vmem>>, vector<16xf32>,
          %get3A_293 = arith.index_cast %while3A_244 : i32 to index
          %get3A_294 = arith.constant 48 : index
          %get3A_295 = tpu.vector_load %arg8[%get3A_293, %get3A_294] {strides = array<i32>} : memref<16x128xf32, #tpu.memory_space<vmem>>, vector<16xf32>,
          %add3A_296 = arith.addf %get3A_295, %while3A_271#3 : vector<16xf32>
          %swap3A_297 = arith.index_cast %while3A_244 : i32 to index
          %swap3A_298 = arith.constant 48 : index
          %swap3A_299 = tpu.vector_load %arg8[%swap3A_297, %swap3A_298] {strides = array<i32>} : memref<16x128xf32, #tpu.memory_space<vmem>>, vector<16xf32>,
          tpu.vector_store %arg8[%swap3A_297, %swap3A_298], %add3A_296 {strides = array<i32>} : memref<16x128xf32, #tpu.memory_space<vmem>>, vector<16xf32>,
          %get3A_300 = arith.index_cast %while3A_244 : i32 to index
          %get3A_301 = arith.constant 64 : index
          %get3A_302 = tpu.vector_load %arg8[%get3A_300, %get3A_301] {strides = array<i32>} : memref<16x128xf32, #tpu.memory_space<vmem>>, vector<16xf32>,
          %add3A_303 = arith.addf %get3A_302, %while3A_271#4 : vector<16xf32>
          %swap3A_304 = arith.index_cast %while3A_244 : i32 to index
          %swap3A_305 = arith.constant 64 : index
          %swap3A_306 = tpu.vector_load %arg8[%swap3A_304, %swap3A_305] {strides = array<i32>} : memref<16x128xf32, #tpu.memory_space<vmem>>, vector<16xf32>,
          tpu.vector_store %arg8[%swap3A_304, %swap3A_305], %add3A_303 {strides = array<i32>} : memref<16x128xf32, #tpu.memory_space<vmem>>, vector<16xf32>,
          %get3A_307 = arith.index_cast %while3A_244 : i32 to index
          %get3A_308 = arith.constant 80 : index
          %get3A_309 = tpu.vector_load %arg8[%get3A_307, %get3A_308] {strides = array<i32>} : memref<16x128xf32, #tpu.memory_space<vmem>>, vector<16xf32>,
          %add3A_310 = arith.addf %get3A_309, %while3A_271#5 : vector<16xf32>
          %swap3A_311 = arith.index_cast %while3A_244 : i32 to index
          %swap3A_312 = arith.constant 80 : index
          %swap3A_313 = tpu.vector_load %arg8[%swap3A_311, %swap3A_312] {strides = array<i32>} : memref<16x128xf32, #tpu.memory_space<vmem>>, vector<16xf32>,
          tpu.vector_store %arg8[%swap3A_311, %swap3A_312], %add3A_310 {strides = array<i32>} : memref<16x128xf32, #tpu.memory_space<vmem>>, vector<16xf32>,
          %get3A_314 = arith.index_cast %while3A_244 : i32 to index
          %get3A_315 = arith.constant 96 : index
          %get3A_316 = tpu.vector_load %arg8[%get3A_314, %get3A_315] {strides = array<i32>} : memref<16x128xf32, #tpu.memory_space<vmem>>, vector<16xf32>,
          %add3A_317 = arith.addf %get3A_316, %while3A_271#6 : vector<16xf32>
          %swap3A_318 = arith.index_cast %while3A_244 : i32 to index
          %swap3A_319 = arith.constant 96 : index
          %swap3A_320 = tpu.vector_load %arg8[%swap3A_318, %swap3A_319] {strides = array<i32>} : memref<16x128xf32, #tpu.memory_space<vmem>>, vector<16xf32>,
          tpu.vector_store %arg8[%swap3A_318, %swap3A_319], %add3A_317 {strides = array<i32>} : memref<16x128xf32, #tpu.memory_space<vmem>>, vector<16xf32>,
          %get3A_321 = arith.index_cast %while3A_244 : i32 to index
          %get3A_322 = arith.constant 112 : index
          %get3A_323 = tpu.vector_load %arg8[%get3A_321, %get3A_322] {strides = array<i32>} : memref<16x128xf32, #tpu.memory_space<vmem>>, vector<16xf32>,
          %add3A_324 = arith.addf %get3A_323, %while3A_271#7 : vector<16xf32>
          %swap3A_325 = arith.index_cast %while3A_244 : i32 to index
          %swap3A_326 = arith.constant 112 : index
          %swap3A_327 = tpu.vector_load %arg8[%swap3A_325, %swap3A_326] {strides = array<i32>} : memref<16x128xf32, #tpu.memory_space<vmem>>, vector<16xf32>,
          tpu.vector_store %arg8[%swap3A_325, %swap3A_326], %add3A_324 {strides = array<i32>} : memref<16x128xf32, #tpu.memory_space<vmem>>, vector<16xf32>,
          %add3A_328 = arith.constant 1 : i32
          %add3A_329 = arith.addi %while3A_244, %add3A_328 : i32
          scf.yield %add3A_329, %min3A_259 : i32, i32
        }
      } else {
      }
    }
    %while3A_101 = arith.constant 1 : i32
    scf.for %while3A_199 = %while3A_99 to %while3A_95 step %while3A_101  : i32 {
      %mul3A_200 = arith.constant 2 : i32
      %mul3A_201 = arith.muli %while3A_199, %mul3A_200 : i32
      %add3A_202 = arith.constant 0 : i32
      %add3A_203 = arith.addi %mul3A_201, %add3A_202 : i32
      %lt3A = arith.cmpi slt, %add3A_203, %select_n3A_64 : i32
      %convert_element_type3A_204 = arith.extui %lt3A : i1 to i32
      %cond3A_205 = arith.constant 0 : i32
      %cond3A_206 = arith.cmpi ne, %convert_element_type3A_204, %cond3A_205 : i32
      scf.if %cond3A_206 {
        %add3A_213 = arith.constant 0 : i32
        %add3A_214 = arith.addi %mul3A_201, %add3A_213 : i32
        %mul3A_215 = arith.constant 16 : i32
        %mul3A_216 = arith.muli %add3A_214, %mul3A_215 : i32
        %add3A_217 = arith.addi %arg1, %mul3A_216 : i32
        %mul3A_218 = arith.constant 256 : i32
        %mul3A_219 = arith.muli %add3A_217, %mul3A_218 : i32
        %add3A_220 = arith.constant 1 : i32
        %add3A_221 = arith.addi %add3A_214, %add3A_220 : i32
        %lt3A_222 = arith.cmpi slt, %add3A_221, %select_n3A_64 : i32
        %convert_element_type3A_223 = arith.extui %lt3A_222 : i1 to i32
        %cond3A_224 = arith.constant 0 : i32
        %cond3A_225 = arith.cmpi ne, %convert_element_type3A_223, %cond3A_224 : i32
        scf.if %cond3A_225 {
          %add3A_244 = arith.constant 1 : i32
          %add3A_245 = arith.addi %add3A_214, %add3A_244 : i32
          %mul3A_246 = arith.constant 16 : i32
          %mul3A_247 = arith.muli %add3A_245, %mul3A_246 : i32
          %add3A_248 = arith.addi %arg1, %mul3A_247 : i32
          %mul3A_249 = arith.constant 256 : i32
          %mul3A_250 = arith.muli %add3A_248, %mul3A_249 : i32
          %dma_start3A = tpu.memref_slice %arg2[%mul3A_250, %mul3A_0] : memref<32768x256xf32, #tpu.memory_space<hbm>> -> memref<256x128xf32, #tpu.memory_space<hbm>>
          %dma_start3A_251 = tpu.memref_slice %arg2[%mul3A_250, %mul3A_0] : memref<32768x256xf32, #tpu.memory_space<hbm>> -> memref<256x128xf32, #tpu.memory_space<hbm>>
          tpu.enqueue_dma source(%dma_start3A_251 : memref<256x128xf32, #tpu.memory_space<hbm>>) target(%arg7 : memref<256x128xf32, #tpu.memory_space<vmem>>) target_semaphore(%arg12 : memref<!tpu.dma_semaphore, #tpu.memory_space<semaphore_mem>>)
        } else {
        }
        %mul3A_226 = arith.constant 16 : i32
        %mul3A_227 = arith.muli %add3A_214, %mul3A_226 : i32
        %add3A_228 = arith.addi %arg1, %mul3A_227 : i32
        %mul3A_229 = arith.constant 256 : i32
        %mul3A_230 = arith.muli %add3A_228, %mul3A_229 : i32
        %dma_wait3A = tpu.memref_slice %arg2[%mul3A_230, %mul3A_0] : memref<32768x256xf32, #tpu.memory_space<hbm>> -> memref<256x128xf32, #tpu.memory_space<hbm>>
        %dma_wait3A_231 = tpu.memref_slice %arg2[%mul3A_230, %mul3A_0] : memref<32768x256xf32, #tpu.memory_space<hbm>> -> memref<256x128xf32, #tpu.memory_space<hbm>>
        tpu.wait_dma2 semaphore(%arg11 : memref<!tpu.dma_semaphore, #tpu.memory_space<semaphore_mem>>) src(%dma_wait3A_231 : memref<256x128xf32, #tpu.memory_space<hbm>>) dst(%arg6 : memref<256x128xf32, #tpu.memory_space<vmem>>)
        %add3A_232 = arith.constant 256 : i32
        %add3A_233 = arith.addi %mul3A_219, %add3A_232 : i32
        %min3A = arith.minsi %add3A_233, %reduce_max3A_9 : i32
        %le3A = vector.broadcast %mul3A_219 : i32 to vector<16xi32>
        %le3A_234 = arith.cmpi sle, %masked_cumsum3A, %le3A : vector<16xi32>
        %jit3A_235 = arith.constant 1 : i32
        %jit3A_236 = arith.constant 0 : i32
        %broadcast_in_dim3A_237 = vector.broadcast %jit3A_235 : i32 to vector<16xi32>
        %broadcast_in_dim3A_238 = vector.broadcast %jit3A_236 : i32 to vector<16xi32>
        %select_n3A_239 = arith.select %le3A_234, %broadcast_in_dim3A_237, %broadcast_in_dim3A_238 : vector<16xi1>, vector<16xi32>
        %reduce_sum3A = arith.constant true
        %reduce_sum3A_240 = vector.broadcast %reduce_sum3A : i1 to vector<16xi1>
        %reduce_sum3A_241 = tpu.scan <sum>, %select_n3A_239 masked %reduce_sum3A_240 : vector<16xi32>, vector<16xi1> -> vector<16xi32>
        %reduce_sum3A_242 = vector.extract %reduce_sum3A_241[15] : i32 from vector<16xi32>
        %while3A_243:2 = scf.while (%while3A_244 = %reduce_sum3A_242, %while3A_245 = %mul3A_219) : (i32, i32) -> (i32, i32) {
          %lt3A_246 = arith.cmpi slt, %while3A_245, %min3A : i32
          scf.condition(%lt3A_246) %while3A_244, %while3A_245 : i32, i32
        } do {
        ^bb0(%while3A_244: i32, %while3A_245: i32):
          %eq3A_246 = vector.broadcast %while3A_244 : i32 to vector<16xi32>
          %eq3A_247 = arith.cmpi eq, %iota3A, %eq3A_246 : vector<16xi32>
          %jit3A_248 = arith.constant 0 : i32
          %broadcast_in_dim3A_249 = vector.broadcast %jit3A_248 : i32 to vector<16xi32>
          %select_n3A_250 = arith.select %eq3A_247, %masked_cumsum3A, %broadcast_in_dim3A_249 : vector<16xi1>, vector<16xi32>
          %reduce_max3A_251 = arith.constant true
          %reduce_max3A_252 = vector.broadcast %reduce_max3A_251 : i1 to vector<16xi1>
          %reduce_max3A_253 = arith.constant -2147483648 : i32
          %reduce_max3A_254 = vector.broadcast %reduce_max3A_253 : i32 to vector<16xi32>
          %reduce_max3A_255 = arith.xori %select_n3A_250, %reduce_max3A_254 : vector<16xi32>
          %reduce_max3A_256 = tpu.scan <max>, %reduce_max3A_255 masked %reduce_max3A_252 : vector<16xi32>, vector<16xi1> -> vector<16xi32>
          %reduce_max3A_257 = arith.xori %reduce_max3A_256, %reduce_max3A_254 : vector<16xi32>
          %reduce_max3A_258 = vector.extract %reduce_max3A_257[15] : i32 from vector<16xi32>
          %min3A_259 = arith.minsi %reduce_max3A_258, %min3A : i32
          %sub3A_260 = arith.subi %while3A_245, %mul3A_219 : i32
          %sub3A_261 = arith.subi %min3A_259, %mul3A_219 : i32
          %while3A_262 = arith.subi %sub3A_261, %sub3A_260 : i32
          %while3A_263 = arith.addi %sub3A_260, %while3A_262 : i32
          %while3A_264 = arith.constant 1 : i32
          %while3A_265 = arith.divsi %while3A_262, %while3A_264 : i32
          %while3A_266 = arith.muli %while3A_265, %while3A_264 : i32
          %while3A_267 = arith.addi %sub3A_260, %while3A_266 : i32
          %while3A_268 = arith.constant 1 : i32
          %while3A_269:8 = scf.for %while3A_330 = %sub3A_260 to %while3A_267 step %while3A_268 iter_args(%while3A_331 = %broadcast_in_dim3A_11, %while3A_332 = %broadcast_in_dim3A_11, %while3A_333 = %broadcast_in_dim3A_11, %while3A_334 = %broadcast_in_dim3A_11, %while3A_335 = %broadcast_in_dim3A_11, %while3A_336 = %broadcast_in_dim3A_11, %while3A_337 = %broadcast_in_dim3A_11, %while3A_338 = %broadcast_in_dim3A_11) -> (vector<16xf32>, vector<16xf32>, vector<16xf32>, vector<16xf32>, vector<16xf32>, vector<16xf32>, vector<16xf32>, vector<16xf32>)  : i32 {
            %get3A_339 = arith.index_cast %while3A_330 : i32 to index
            %get3A_340 = arith.constant 0 : index
            %get3A_341 = tpu.vector_load %arg6[%get3A_339, %get3A_340] {strides = array<i32>} : memref<256x128xf32, #tpu.memory_space<vmem>>, vector<16xf32>,
            %add3A_342 = arith.addf %while3A_331, %get3A_341 : vector<16xf32>
            %get3A_343 = arith.index_cast %while3A_330 : i32 to index
            %get3A_344 = arith.constant 16 : index
            %get3A_345 = tpu.vector_load %arg6[%get3A_343, %get3A_344] {strides = array<i32>} : memref<256x128xf32, #tpu.memory_space<vmem>>, vector<16xf32>,
            %add3A_346 = arith.addf %while3A_332, %get3A_345 : vector<16xf32>
            %get3A_347 = arith.index_cast %while3A_330 : i32 to index
            %get3A_348 = arith.constant 32 : index
            %get3A_349 = tpu.vector_load %arg6[%get3A_347, %get3A_348] {strides = array<i32>} : memref<256x128xf32, #tpu.memory_space<vmem>>, vector<16xf32>,
            %add3A_350 = arith.addf %while3A_333, %get3A_349 : vector<16xf32>
            %get3A_351 = arith.index_cast %while3A_330 : i32 to index
            %get3A_352 = arith.constant 48 : index
            %get3A_353 = tpu.vector_load %arg6[%get3A_351, %get3A_352] {strides = array<i32>} : memref<256x128xf32, #tpu.memory_space<vmem>>, vector<16xf32>,
            %add3A_354 = arith.addf %while3A_334, %get3A_353 : vector<16xf32>
            %get3A_355 = arith.index_cast %while3A_330 : i32 to index
            %get3A_356 = arith.constant 64 : index
            %get3A_357 = tpu.vector_load %arg6[%get3A_355, %get3A_356] {strides = array<i32>} : memref<256x128xf32, #tpu.memory_space<vmem>>, vector<16xf32>,
            %add3A_358 = arith.addf %while3A_335, %get3A_357 : vector<16xf32>
            %get3A_359 = arith.index_cast %while3A_330 : i32 to index
            %get3A_360 = arith.constant 80 : index
            %get3A_361 = tpu.vector_load %arg6[%get3A_359, %get3A_360] {strides = array<i32>} : memref<256x128xf32, #tpu.memory_space<vmem>>, vector<16xf32>,
            %add3A_362 = arith.addf %while3A_336, %get3A_361 : vector<16xf32>
            %get3A_363 = arith.index_cast %while3A_330 : i32 to index
            %get3A_364 = arith.constant 96 : index
            %get3A_365 = tpu.vector_load %arg6[%get3A_363, %get3A_364] {strides = array<i32>} : memref<256x128xf32, #tpu.memory_space<vmem>>, vector<16xf32>,
            %add3A_366 = arith.addf %while3A_337, %get3A_365 : vector<16xf32>
            %get3A_367 = arith.index_cast %while3A_330 : i32 to index
            %get3A_368 = arith.constant 112 : index
            %get3A_369 = tpu.vector_load %arg6[%get3A_367, %get3A_368] {strides = array<i32>} : memref<256x128xf32, #tpu.memory_space<vmem>>, vector<16xf32>,
            %add3A_370 = arith.addf %while3A_338, %get3A_369 : vector<16xf32>
            scf.yield %add3A_342, %add3A_346, %add3A_350, %add3A_354, %add3A_358, %add3A_362, %add3A_366, %add3A_370 : vector<16xf32>, vector<16xf32>, vector<16xf32>, vector<16xf32>, vector<16xf32>, vector<16xf32>, vector<16xf32>, vector<16xf32>
          }
          %while3A_270 = arith.constant 1 : i32
          %while3A_271:8 = scf.for %while3A_330 = %while3A_267 to %while3A_263 step %while3A_270 iter_args(%while3A_331 = %while3A_269#0, %while3A_332 = %while3A_269#1, %while3A_333 = %while3A_269#2, %while3A_334 = %while3A_269#3, %while3A_335 = %while3A_269#4, %while3A_336 = %while3A_269#5, %while3A_337 = %while3A_269#6, %while3A_338 = %while3A_269#7) -> (vector<16xf32>, vector<16xf32>, vector<16xf32>, vector<16xf32>, vector<16xf32>, vector<16xf32>, vector<16xf32>, vector<16xf32>)  : i32 {
            %get3A_339 = arith.index_cast %while3A_330 : i32 to index
            %get3A_340 = arith.constant 0 : index
            %get3A_341 = tpu.vector_load %arg6[%get3A_339, %get3A_340] {strides = array<i32>} : memref<256x128xf32, #tpu.memory_space<vmem>>, vector<16xf32>,
            %add3A_342 = arith.addf %while3A_331, %get3A_341 : vector<16xf32>
            %get3A_343 = arith.index_cast %while3A_330 : i32 to index
            %get3A_344 = arith.constant 16 : index
            %get3A_345 = tpu.vector_load %arg6[%get3A_343, %get3A_344] {strides = array<i32>} : memref<256x128xf32, #tpu.memory_space<vmem>>, vector<16xf32>,
            %add3A_346 = arith.addf %while3A_332, %get3A_345 : vector<16xf32>
            %get3A_347 = arith.index_cast %while3A_330 : i32 to index
            %get3A_348 = arith.constant 32 : index
            %get3A_349 = tpu.vector_load %arg6[%get3A_347, %get3A_348] {strides = array<i32>} : memref<256x128xf32, #tpu.memory_space<vmem>>, vector<16xf32>,
            %add3A_350 = arith.addf %while3A_333, %get3A_349 : vector<16xf32>
            %get3A_351 = arith.index_cast %while3A_330 : i32 to index
            %get3A_352 = arith.constant 48 : index
            %get3A_353 = tpu.vector_load %arg6[%get3A_351, %get3A_352] {strides = array<i32>} : memref<256x128xf32, #tpu.memory_space<vmem>>, vector<16xf32>,
            %add3A_354 = arith.addf %while3A_334, %get3A_353 : vector<16xf32>
            %get3A_355 = arith.index_cast %while3A_330 : i32 to index
            %get3A_356 = arith.constant 64 : index
            %get3A_357 = tpu.vector_load %arg6[%get3A_355, %get3A_356] {strides = array<i32>} : memref<256x128xf32, #tpu.memory_space<vmem>>, vector<16xf32>,
            %add3A_358 = arith.addf %while3A_335, %get3A_357 : vector<16xf32>
            %get3A_359 = arith.index_cast %while3A_330 : i32 to index
            %get3A_360 = arith.constant 80 : index
            %get3A_361 = tpu.vector_load %arg6[%get3A_359, %get3A_360] {strides = array<i32>} : memref<256x128xf32, #tpu.memory_space<vmem>>, vector<16xf32>,
            %add3A_362 = arith.addf %while3A_336, %get3A_361 : vector<16xf32>
            %get3A_363 = arith.index_cast %while3A_330 : i32 to index
            %get3A_364 = arith.constant 96 : index
            %get3A_365 = tpu.vector_load %arg6[%get3A_363, %get3A_364] {strides = array<i32>} : memref<256x128xf32, #tpu.memory_space<vmem>>, vector<16xf32>,
            %add3A_366 = arith.addf %while3A_337, %get3A_365 : vector<16xf32>
            %get3A_367 = arith.index_cast %while3A_330 : i32 to index
            %get3A_368 = arith.constant 112 : index
            %get3A_369 = tpu.vector_load %arg6[%get3A_367, %get3A_368] {strides = array<i32>} : memref<256x128xf32, #tpu.memory_space<vmem>>, vector<16xf32>,
            %add3A_370 = arith.addf %while3A_338, %get3A_369 : vector<16xf32>
            scf.yield %add3A_342, %add3A_346, %add3A_350, %add3A_354, %add3A_358, %add3A_362, %add3A_366, %add3A_370 : vector<16xf32>, vector<16xf32>, vector<16xf32>, vector<16xf32>, vector<16xf32>, vector<16xf32>, vector<16xf32>, vector<16xf32>
          }
          %get3A_272 = arith.index_cast %while3A_244 : i32 to index
          %get3A_273 = arith.constant 0 : index
          %get3A_274 = tpu.vector_load %arg8[%get3A_272, %get3A_273] {strides = array<i32>} : memref<16x128xf32, #tpu.memory_space<vmem>>, vector<16xf32>,
          %add3A_275 = arith.addf %get3A_274, %while3A_271#0 : vector<16xf32>
          %swap3A_276 = arith.index_cast %while3A_244 : i32 to index
          %swap3A_277 = arith.constant 0 : index
          %swap3A_278 = tpu.vector_load %arg8[%swap3A_276, %swap3A_277] {strides = array<i32>} : memref<16x128xf32, #tpu.memory_space<vmem>>, vector<16xf32>,
          tpu.vector_store %arg8[%swap3A_276, %swap3A_277], %add3A_275 {strides = array<i32>} : memref<16x128xf32, #tpu.memory_space<vmem>>, vector<16xf32>,
          %get3A_279 = arith.index_cast %while3A_244 : i32 to index
          %get3A_280 = arith.constant 16 : index
          %get3A_281 = tpu.vector_load %arg8[%get3A_279, %get3A_280] {strides = array<i32>} : memref<16x128xf32, #tpu.memory_space<vmem>>, vector<16xf32>,
          %add3A_282 = arith.addf %get3A_281, %while3A_271#1 : vector<16xf32>
          %swap3A_283 = arith.index_cast %while3A_244 : i32 to index
          %swap3A_284 = arith.constant 16 : index
          %swap3A_285 = tpu.vector_load %arg8[%swap3A_283, %swap3A_284] {strides = array<i32>} : memref<16x128xf32, #tpu.memory_space<vmem>>, vector<16xf32>,
          tpu.vector_store %arg8[%swap3A_283, %swap3A_284], %add3A_282 {strides = array<i32>} : memref<16x128xf32, #tpu.memory_space<vmem>>, vector<16xf32>,
          %get3A_286 = arith.index_cast %while3A_244 : i32 to index
          %get3A_287 = arith.constant 32 : index
          %get3A_288 = tpu.vector_load %arg8[%get3A_286, %get3A_287] {strides = array<i32>} : memref<16x128xf32, #tpu.memory_space<vmem>>, vector<16xf32>,
          %add3A_289 = arith.addf %get3A_288, %while3A_271#2 : vector<16xf32>
          %swap3A_290 = arith.index_cast %while3A_244 : i32 to index
          %swap3A_291 = arith.constant 32 : index
          %swap3A_292 = tpu.vector_load %arg8[%swap3A_290, %swap3A_291] {strides = array<i32>} : memref<16x128xf32, #tpu.memory_space<vmem>>, vector<16xf32>,
          tpu.vector_store %arg8[%swap3A_290, %swap3A_291], %add3A_289 {strides = array<i32>} : memref<16x128xf32, #tpu.memory_space<vmem>>, vector<16xf32>,
          %get3A_293 = arith.index_cast %while3A_244 : i32 to index
          %get3A_294 = arith.constant 48 : index
          %get3A_295 = tpu.vector_load %arg8[%get3A_293, %get3A_294] {strides = array<i32>} : memref<16x128xf32, #tpu.memory_space<vmem>>, vector<16xf32>,
          %add3A_296 = arith.addf %get3A_295, %while3A_271#3 : vector<16xf32>
          %swap3A_297 = arith.index_cast %while3A_244 : i32 to index
          %swap3A_298 = arith.constant 48 : index
          %swap3A_299 = tpu.vector_load %arg8[%swap3A_297, %swap3A_298] {strides = array<i32>} : memref<16x128xf32, #tpu.memory_space<vmem>>, vector<16xf32>,
          tpu.vector_store %arg8[%swap3A_297, %swap3A_298], %add3A_296 {strides = array<i32>} : memref<16x128xf32, #tpu.memory_space<vmem>>, vector<16xf32>,
          %get3A_300 = arith.index_cast %while3A_244 : i32 to index
          %get3A_301 = arith.constant 64 : index
          %get3A_302 = tpu.vector_load %arg8[%get3A_300, %get3A_301] {strides = array<i32>} : memref<16x128xf32, #tpu.memory_space<vmem>>, vector<16xf32>,
          %add3A_303 = arith.addf %get3A_302, %while3A_271#4 : vector<16xf32>
          %swap3A_304 = arith.index_cast %while3A_244 : i32 to index
          %swap3A_305 = arith.constant 64 : index
          %swap3A_306 = tpu.vector_load %arg8[%swap3A_304, %swap3A_305] {strides = array<i32>} : memref<16x128xf32, #tpu.memory_space<vmem>>, vector<16xf32>,
          tpu.vector_store %arg8[%swap3A_304, %swap3A_305], %add3A_303 {strides = array<i32>} : memref<16x128xf32, #tpu.memory_space<vmem>>, vector<16xf32>,
          %get3A_307 = arith.index_cast %while3A_244 : i32 to index
          %get3A_308 = arith.constant 80 : index
          %get3A_309 = tpu.vector_load %arg8[%get3A_307, %get3A_308] {strides = array<i32>} : memref<16x128xf32, #tpu.memory_space<vmem>>, vector<16xf32>,
          %add3A_310 = arith.addf %get3A_309, %while3A_271#5 : vector<16xf32>
          %swap3A_311 = arith.index_cast %while3A_244 : i32 to index
          %swap3A_312 = arith.constant 80 : index
          %swap3A_313 = tpu.vector_load %arg8[%swap3A_311, %swap3A_312] {strides = array<i32>} : memref<16x128xf32, #tpu.memory_space<vmem>>, vector<16xf32>,
          tpu.vector_store %arg8[%swap3A_311, %swap3A_312], %add3A_310 {strides = array<i32>} : memref<16x128xf32, #tpu.memory_space<vmem>>, vector<16xf32>,
          %get3A_314 = arith.index_cast %while3A_244 : i32 to index
          %get3A_315 = arith.constant 96 : index
          %get3A_316 = tpu.vector_load %arg8[%get3A_314, %get3A_315] {strides = array<i32>} : memref<16x128xf32, #tpu.memory_space<vmem>>, vector<16xf32>,
          %add3A_317 = arith.addf %get3A_316, %while3A_271#6 : vector<16xf32>
          %swap3A_318 = arith.index_cast %while3A_244 : i32 to index
          %swap3A_319 = arith.constant 96 : index
          %swap3A_320 = tpu.vector_load %arg8[%swap3A_318, %swap3A_319] {strides = array<i32>} : memref<16x128xf32, #tpu.memory_space<vmem>>, vector<16xf32>,
          tpu.vector_store %arg8[%swap3A_318, %swap3A_319], %add3A_317 {strides = array<i32>} : memref<16x128xf32, #tpu.memory_space<vmem>>, vector<16xf32>,
          %get3A_321 = arith.index_cast %while3A_244 : i32 to index
          %get3A_322 = arith.constant 112 : index
          %get3A_323 = tpu.vector_load %arg8[%get3A_321, %get3A_322] {strides = array<i32>} : memref<16x128xf32, #tpu.memory_space<vmem>>, vector<16xf32>,
          %add3A_324 = arith.addf %get3A_323, %while3A_271#7 : vector<16xf32>
          %swap3A_325 = arith.index_cast %while3A_244 : i32 to index
          %swap3A_326 = arith.constant 112 : index
          %swap3A_327 = tpu.vector_load %arg8[%swap3A_325, %swap3A_326] {strides = array<i32>} : memref<16x128xf32, #tpu.memory_space<vmem>>, vector<16xf32>,
          tpu.vector_store %arg8[%swap3A_325, %swap3A_326], %add3A_324 {strides = array<i32>} : memref<16x128xf32, #tpu.memory_space<vmem>>, vector<16xf32>,
          %add3A_328 = arith.constant 1 : i32
          %add3A_329 = arith.addi %while3A_244, %add3A_328 : i32
          scf.yield %add3A_329, %min3A_259 : i32, i32
        }
      } else {
      }
      %add3A_207 = arith.constant 1 : i32
      %add3A_208 = arith.addi %mul3A_201, %add3A_207 : i32
      %lt3A_209 = arith.cmpi slt, %add3A_208, %select_n3A_64 : i32
      %convert_element_type3A_210 = arith.extui %lt3A_209 : i1 to i32
      %cond3A_211 = arith.constant 0 : i32
      %cond3A_212 = arith.cmpi ne, %convert_element_type3A_210, %cond3A_211 : i32
      scf.if %cond3A_212 {
        %add3A_213 = arith.constant 1 : i32
        %add3A_214 = arith.addi %mul3A_201, %add3A_213 : i32
        %mul3A_215 = arith.constant 16 : i32
        %mul3A_216 = arith.muli %add3A_214, %mul3A_215 : i32
        %add3A_217 = arith.addi %arg1, %mul3A_216 : i32
        %mul3A_218 = arith.constant 256 : i32
        %mul3A_219 = arith.muli %add3A_217, %mul3A_218 : i32
        %add3A_220 = arith.constant 1 : i32
        %add3A_221 = arith.addi %add3A_214, %add3A_220 : i32
        %lt3A_222 = arith.cmpi slt, %add3A_221, %select_n3A_64 : i32
        %convert_element_type3A_223 = arith.extui %lt3A_222 : i1 to i32
        %cond3A_224 = arith.constant 0 : i32
        %cond3A_225 = arith.cmpi ne, %convert_element_type3A_223, %cond3A_224 : i32
        scf.if %cond3A_225 {
          %add3A_244 = arith.constant 1 : i32
          %add3A_245 = arith.addi %add3A_214, %add3A_244 : i32
          %mul3A_246 = arith.constant 16 : i32
          %mul3A_247 = arith.muli %add3A_245, %mul3A_246 : i32
          %add3A_248 = arith.addi %arg1, %mul3A_247 : i32
          %mul3A_249 = arith.constant 256 : i32
          %mul3A_250 = arith.muli %add3A_248, %mul3A_249 : i32
          %dma_start3A = tpu.memref_slice %arg2[%mul3A_250, %mul3A_0] : memref<32768x256xf32, #tpu.memory_space<hbm>> -> memref<256x128xf32, #tpu.memory_space<hbm>>
          %dma_start3A_251 = tpu.memref_slice %arg2[%mul3A_250, %mul3A_0] : memref<32768x256xf32, #tpu.memory_space<hbm>> -> memref<256x128xf32, #tpu.memory_space<hbm>>
          tpu.enqueue_dma source(%dma_start3A_251 : memref<256x128xf32, #tpu.memory_space<hbm>>) target(%arg6 : memref<256x128xf32, #tpu.memory_space<vmem>>) target_semaphore(%arg11 : memref<!tpu.dma_semaphore, #tpu.memory_space<semaphore_mem>>)
        } else {
        }
        %mul3A_226 = arith.constant 16 : i32
        %mul3A_227 = arith.muli %add3A_214, %mul3A_226 : i32
        %add3A_228 = arith.addi %arg1, %mul3A_227 : i32
        %mul3A_229 = arith.constant 256 : i32
        %mul3A_230 = arith.muli %add3A_228, %mul3A_229 : i32
        %dma_wait3A = tpu.memref_slice %arg2[%mul3A_230, %mul3A_0] : memref<32768x256xf32, #tpu.memory_space<hbm>> -> memref<256x128xf32, #tpu.memory_space<hbm>>
        %dma_wait3A_231 = tpu.memref_slice %arg2[%mul3A_230, %mul3A_0] : memref<32768x256xf32, #tpu.memory_space<hbm>> -> memref<256x128xf32, #tpu.memory_space<hbm>>
        tpu.wait_dma2 semaphore(%arg12 : memref<!tpu.dma_semaphore, #tpu.memory_space<semaphore_mem>>) src(%dma_wait3A_231 : memref<256x128xf32, #tpu.memory_space<hbm>>) dst(%arg7 : memref<256x128xf32, #tpu.memory_space<vmem>>)
        %add3A_232 = arith.constant 256 : i32
        %add3A_233 = arith.addi %mul3A_219, %add3A_232 : i32
        %min3A = arith.minsi %add3A_233, %reduce_max3A_9 : i32
        %le3A = vector.broadcast %mul3A_219 : i32 to vector<16xi32>
        %le3A_234 = arith.cmpi sle, %masked_cumsum3A, %le3A : vector<16xi32>
        %jit3A_235 = arith.constant 1 : i32
        %jit3A_236 = arith.constant 0 : i32
        %broadcast_in_dim3A_237 = vector.broadcast %jit3A_235 : i32 to vector<16xi32>
        %broadcast_in_dim3A_238 = vector.broadcast %jit3A_236 : i32 to vector<16xi32>
        %select_n3A_239 = arith.select %le3A_234, %broadcast_in_dim3A_237, %broadcast_in_dim3A_238 : vector<16xi1>, vector<16xi32>
        %reduce_sum3A = arith.constant true
        %reduce_sum3A_240 = vector.broadcast %reduce_sum3A : i1 to vector<16xi1>
        %reduce_sum3A_241 = tpu.scan <sum>, %select_n3A_239 masked %reduce_sum3A_240 : vector<16xi32>, vector<16xi1> -> vector<16xi32>
        %reduce_sum3A_242 = vector.extract %reduce_sum3A_241[15] : i32 from vector<16xi32>
        %while3A_243:2 = scf.while (%while3A_244 = %reduce_sum3A_242, %while3A_245 = %mul3A_219) : (i32, i32) -> (i32, i32) {
          %lt3A_246 = arith.cmpi slt, %while3A_245, %min3A : i32
          scf.condition(%lt3A_246) %while3A_244, %while3A_245 : i32, i32
        } do {
        ^bb0(%while3A_244: i32, %while3A_245: i32):
          %eq3A_246 = vector.broadcast %while3A_244 : i32 to vector<16xi32>
          %eq3A_247 = arith.cmpi eq, %iota3A, %eq3A_246 : vector<16xi32>
          %jit3A_248 = arith.constant 0 : i32
          %broadcast_in_dim3A_249 = vector.broadcast %jit3A_248 : i32 to vector<16xi32>
          %select_n3A_250 = arith.select %eq3A_247, %masked_cumsum3A, %broadcast_in_dim3A_249 : vector<16xi1>, vector<16xi32>
          %reduce_max3A_251 = arith.constant true
          %reduce_max3A_252 = vector.broadcast %reduce_max3A_251 : i1 to vector<16xi1>
          %reduce_max3A_253 = arith.constant -2147483648 : i32
          %reduce_max3A_254 = vector.broadcast %reduce_max3A_253 : i32 to vector<16xi32>
          %reduce_max3A_255 = arith.xori %select_n3A_250, %reduce_max3A_254 : vector<16xi32>
          %reduce_max3A_256 = tpu.scan <max>, %reduce_max3A_255 masked %reduce_max3A_252 : vector<16xi32>, vector<16xi1> -> vector<16xi32>
          %reduce_max3A_257 = arith.xori %reduce_max3A_256, %reduce_max3A_254 : vector<16xi32>
          %reduce_max3A_258 = vector.extract %reduce_max3A_257[15] : i32 from vector<16xi32>
          %min3A_259 = arith.minsi %reduce_max3A_258, %min3A : i32
          %sub3A_260 = arith.subi %while3A_245, %mul3A_219 : i32
          %sub3A_261 = arith.subi %min3A_259, %mul3A_219 : i32
          %while3A_262 = arith.subi %sub3A_261, %sub3A_260 : i32
          %while3A_263 = arith.addi %sub3A_260, %while3A_262 : i32
          %while3A_264 = arith.constant 1 : i32
          %while3A_265 = arith.divsi %while3A_262, %while3A_264 : i32
          %while3A_266 = arith.muli %while3A_265, %while3A_264 : i32
          %while3A_267 = arith.addi %sub3A_260, %while3A_266 : i32
          %while3A_268 = arith.constant 1 : i32
          %while3A_269:8 = scf.for %while3A_330 = %sub3A_260 to %while3A_267 step %while3A_268 iter_args(%while3A_331 = %broadcast_in_dim3A_11, %while3A_332 = %broadcast_in_dim3A_11, %while3A_333 = %broadcast_in_dim3A_11, %while3A_334 = %broadcast_in_dim3A_11, %while3A_335 = %broadcast_in_dim3A_11, %while3A_336 = %broadcast_in_dim3A_11, %while3A_337 = %broadcast_in_dim3A_11, %while3A_338 = %broadcast_in_dim3A_11) -> (vector<16xf32>, vector<16xf32>, vector<16xf32>, vector<16xf32>, vector<16xf32>, vector<16xf32>, vector<16xf32>, vector<16xf32>)  : i32 {
            %get3A_339 = arith.index_cast %while3A_330 : i32 to index
            %get3A_340 = arith.constant 0 : index
            %get3A_341 = tpu.vector_load %arg7[%get3A_339, %get3A_340] {strides = array<i32>} : memref<256x128xf32, #tpu.memory_space<vmem>>, vector<16xf32>,
            %add3A_342 = arith.addf %while3A_331, %get3A_341 : vector<16xf32>
            %get3A_343 = arith.index_cast %while3A_330 : i32 to index
            %get3A_344 = arith.constant 16 : index
            %get3A_345 = tpu.vector_load %arg7[%get3A_343, %get3A_344] {strides = array<i32>} : memref<256x128xf32, #tpu.memory_space<vmem>>, vector<16xf32>,
            %add3A_346 = arith.addf %while3A_332, %get3A_345 : vector<16xf32>
            %get3A_347 = arith.index_cast %while3A_330 : i32 to index
            %get3A_348 = arith.constant 32 : index
            %get3A_349 = tpu.vector_load %arg7[%get3A_347, %get3A_348] {strides = array<i32>} : memref<256x128xf32, #tpu.memory_space<vmem>>, vector<16xf32>,
            %add3A_350 = arith.addf %while3A_333, %get3A_349 : vector<16xf32>
            %get3A_351 = arith.index_cast %while3A_330 : i32 to index
            %get3A_352 = arith.constant 48 : index
            %get3A_353 = tpu.vector_load %arg7[%get3A_351, %get3A_352] {strides = array<i32>} : memref<256x128xf32, #tpu.memory_space<vmem>>, vector<16xf32>,
            %add3A_354 = arith.addf %while3A_334, %get3A_353 : vector<16xf32>
            %get3A_355 = arith.index_cast %while3A_330 : i32 to index
            %get3A_356 = arith.constant 64 : index
            %get3A_357 = tpu.vector_load %arg7[%get3A_355, %get3A_356] {strides = array<i32>} : memref<256x128xf32, #tpu.memory_space<vmem>>, vector<16xf32>,
            %add3A_358 = arith.addf %while3A_335, %get3A_357 : vector<16xf32>
            %get3A_359 = arith.index_cast %while3A_330 : i32 to index
            %get3A_360 = arith.constant 80 : index
            %get3A_361 = tpu.vector_load %arg7[%get3A_359, %get3A_360] {strides = array<i32>} : memref<256x128xf32, #tpu.memory_space<vmem>>, vector<16xf32>,
            %add3A_362 = arith.addf %while3A_336, %get3A_361 : vector<16xf32>
            %get3A_363 = arith.index_cast %while3A_330 : i32 to index
            %get3A_364 = arith.constant 96 : index
            %get3A_365 = tpu.vector_load %arg7[%get3A_363, %get3A_364] {strides = array<i32>} : memref<256x128xf32, #tpu.memory_space<vmem>>, vector<16xf32>,
            %add3A_366 = arith.addf %while3A_337, %get3A_365 : vector<16xf32>
            %get3A_367 = arith.index_cast %while3A_330 : i32 to index
            %get3A_368 = arith.constant 112 : index
            %get3A_369 = tpu.vector_load %arg7[%get3A_367, %get3A_368] {strides = array<i32>} : memref<256x128xf32, #tpu.memory_space<vmem>>, vector<16xf32>,
            %add3A_370 = arith.addf %while3A_338, %get3A_369 : vector<16xf32>
            scf.yield %add3A_342, %add3A_346, %add3A_350, %add3A_354, %add3A_358, %add3A_362, %add3A_366, %add3A_370 : vector<16xf32>, vector<16xf32>, vector<16xf32>, vector<16xf32>, vector<16xf32>, vector<16xf32>, vector<16xf32>, vector<16xf32>
          }
          %while3A_270 = arith.constant 1 : i32
          %while3A_271:8 = scf.for %while3A_330 = %while3A_267 to %while3A_263 step %while3A_270 iter_args(%while3A_331 = %while3A_269#0, %while3A_332 = %while3A_269#1, %while3A_333 = %while3A_269#2, %while3A_334 = %while3A_269#3, %while3A_335 = %while3A_269#4, %while3A_336 = %while3A_269#5, %while3A_337 = %while3A_269#6, %while3A_338 = %while3A_269#7) -> (vector<16xf32>, vector<16xf32>, vector<16xf32>, vector<16xf32>, vector<16xf32>, vector<16xf32>, vector<16xf32>, vector<16xf32>)  : i32 {
            %get3A_339 = arith.index_cast %while3A_330 : i32 to index
            %get3A_340 = arith.constant 0 : index
            %get3A_341 = tpu.vector_load %arg7[%get3A_339, %get3A_340] {strides = array<i32>} : memref<256x128xf32, #tpu.memory_space<vmem>>, vector<16xf32>,
            %add3A_342 = arith.addf %while3A_331, %get3A_341 : vector<16xf32>
            %get3A_343 = arith.index_cast %while3A_330 : i32 to index
            %get3A_344 = arith.constant 16 : index
            %get3A_345 = tpu.vector_load %arg7[%get3A_343, %get3A_344] {strides = array<i32>} : memref<256x128xf32, #tpu.memory_space<vmem>>, vector<16xf32>,
            %add3A_346 = arith.addf %while3A_332, %get3A_345 : vector<16xf32>
            %get3A_347 = arith.index_cast %while3A_330 : i32 to index
            %get3A_348 = arith.constant 32 : index
            %get3A_349 = tpu.vector_load %arg7[%get3A_347, %get3A_348] {strides = array<i32>} : memref<256x128xf32, #tpu.memory_space<vmem>>, vector<16xf32>,
            %add3A_350 = arith.addf %while3A_333, %get3A_349 : vector<16xf32>
            %get3A_351 = arith.index_cast %while3A_330 : i32 to index
            %get3A_352 = arith.constant 48 : index
            %get3A_353 = tpu.vector_load %arg7[%get3A_351, %get3A_352] {strides = array<i32>} : memref<256x128xf32, #tpu.memory_space<vmem>>, vector<16xf32>,
            %add3A_354 = arith.addf %while3A_334, %get3A_353 : vector<16xf32>
            %get3A_355 = arith.index_cast %while3A_330 : i32 to index
            %get3A_356 = arith.constant 64 : index
            %get3A_357 = tpu.vector_load %arg7[%get3A_355, %get3A_356] {strides = array<i32>} : memref<256x128xf32, #tpu.memory_space<vmem>>, vector<16xf32>,
            %add3A_358 = arith.addf %while3A_335, %get3A_357 : vector<16xf32>
            %get3A_359 = arith.index_cast %while3A_330 : i32 to index
            %get3A_360 = arith.constant 80 : index
            %get3A_361 = tpu.vector_load %arg7[%get3A_359, %get3A_360] {strides = array<i32>} : memref<256x128xf32, #tpu.memory_space<vmem>>, vector<16xf32>,
            %add3A_362 = arith.addf %while3A_336, %get3A_361 : vector<16xf32>
            %get3A_363 = arith.index_cast %while3A_330 : i32 to index
            %get3A_364 = arith.constant 96 : index
            %get3A_365 = tpu.vector_load %arg7[%get3A_363, %get3A_364] {strides = array<i32>} : memref<256x128xf32, #tpu.memory_space<vmem>>, vector<16xf32>,
            %add3A_366 = arith.addf %while3A_337, %get3A_365 : vector<16xf32>
            %get3A_367 = arith.index_cast %while3A_330 : i32 to index
            %get3A_368 = arith.constant 112 : index
            %get3A_369 = tpu.vector_load %arg7[%get3A_367, %get3A_368] {strides = array<i32>} : memref<256x128xf32, #tpu.memory_space<vmem>>, vector<16xf32>,
            %add3A_370 = arith.addf %while3A_338, %get3A_369 : vector<16xf32>
            scf.yield %add3A_342, %add3A_346, %add3A_350, %add3A_354, %add3A_358, %add3A_362, %add3A_366, %add3A_370 : vector<16xf32>, vector<16xf32>, vector<16xf32>, vector<16xf32>, vector<16xf32>, vector<16xf32>, vector<16xf32>, vector<16xf32>
          }
          %get3A_272 = arith.index_cast %while3A_244 : i32 to index
          %get3A_273 = arith.constant 0 : index
          %get3A_274 = tpu.vector_load %arg8[%get3A_272, %get3A_273] {strides = array<i32>} : memref<16x128xf32, #tpu.memory_space<vmem>>, vector<16xf32>,
          %add3A_275 = arith.addf %get3A_274, %while3A_271#0 : vector<16xf32>
          %swap3A_276 = arith.index_cast %while3A_244 : i32 to index
          %swap3A_277 = arith.constant 0 : index
          %swap3A_278 = tpu.vector_load %arg8[%swap3A_276, %swap3A_277] {strides = array<i32>} : memref<16x128xf32, #tpu.memory_space<vmem>>, vector<16xf32>,
          tpu.vector_store %arg8[%swap3A_276, %swap3A_277], %add3A_275 {strides = array<i32>} : memref<16x128xf32, #tpu.memory_space<vmem>>, vector<16xf32>,
          %get3A_279 = arith.index_cast %while3A_244 : i32 to index
          %get3A_280 = arith.constant 16 : index
          %get3A_281 = tpu.vector_load %arg8[%get3A_279, %get3A_280] {strides = array<i32>} : memref<16x128xf32, #tpu.memory_space<vmem>>, vector<16xf32>,
          %add3A_282 = arith.addf %get3A_281, %while3A_271#1 : vector<16xf32>
          %swap3A_283 = arith.index_cast %while3A_244 : i32 to index
          %swap3A_284 = arith.constant 16 : index
          %swap3A_285 = tpu.vector_load %arg8[%swap3A_283, %swap3A_284] {strides = array<i32>} : memref<16x128xf32, #tpu.memory_space<vmem>>, vector<16xf32>,
          tpu.vector_store %arg8[%swap3A_283, %swap3A_284], %add3A_282 {strides = array<i32>} : memref<16x128xf32, #tpu.memory_space<vmem>>, vector<16xf32>,
          %get3A_286 = arith.index_cast %while3A_244 : i32 to index
          %get3A_287 = arith.constant 32 : index
          %get3A_288 = tpu.vector_load %arg8[%get3A_286, %get3A_287] {strides = array<i32>} : memref<16x128xf32, #tpu.memory_space<vmem>>, vector<16xf32>,
          %add3A_289 = arith.addf %get3A_288, %while3A_271#2 : vector<16xf32>
          %swap3A_290 = arith.index_cast %while3A_244 : i32 to index
          %swap3A_291 = arith.constant 32 : index
          %swap3A_292 = tpu.vector_load %arg8[%swap3A_290, %swap3A_291] {strides = array<i32>} : memref<16x128xf32, #tpu.memory_space<vmem>>, vector<16xf32>,
          tpu.vector_store %arg8[%swap3A_290, %swap3A_291], %add3A_289 {strides = array<i32>} : memref<16x128xf32, #tpu.memory_space<vmem>>, vector<16xf32>,
          %get3A_293 = arith.index_cast %while3A_244 : i32 to index
          %get3A_294 = arith.constant 48 : index
          %get3A_295 = tpu.vector_load %arg8[%get3A_293, %get3A_294] {strides = array<i32>} : memref<16x128xf32, #tpu.memory_space<vmem>>, vector<16xf32>,
          %add3A_296 = arith.addf %get3A_295, %while3A_271#3 : vector<16xf32>
          %swap3A_297 = arith.index_cast %while3A_244 : i32 to index
          %swap3A_298 = arith.constant 48 : index
          %swap3A_299 = tpu.vector_load %arg8[%swap3A_297, %swap3A_298] {strides = array<i32>} : memref<16x128xf32, #tpu.memory_space<vmem>>, vector<16xf32>,
          tpu.vector_store %arg8[%swap3A_297, %swap3A_298], %add3A_296 {strides = array<i32>} : memref<16x128xf32, #tpu.memory_space<vmem>>, vector<16xf32>,
          %get3A_300 = arith.index_cast %while3A_244 : i32 to index
          %get3A_301 = arith.constant 64 : index
          %get3A_302 = tpu.vector_load %arg8[%get3A_300, %get3A_301] {strides = array<i32>} : memref<16x128xf32, #tpu.memory_space<vmem>>, vector<16xf32>,
          %add3A_303 = arith.addf %get3A_302, %while3A_271#4 : vector<16xf32>
          %swap3A_304 = arith.index_cast %while3A_244 : i32 to index
          %swap3A_305 = arith.constant 64 : index
          %swap3A_306 = tpu.vector_load %arg8[%swap3A_304, %swap3A_305] {strides = array<i32>} : memref<16x128xf32, #tpu.memory_space<vmem>>, vector<16xf32>,
          tpu.vector_store %arg8[%swap3A_304, %swap3A_305], %add3A_303 {strides = array<i32>} : memref<16x128xf32, #tpu.memory_space<vmem>>, vector<16xf32>,
          %get3A_307 = arith.index_cast %while3A_244 : i32 to index
          %get3A_308 = arith.constant 80 : index
          %get3A_309 = tpu.vector_load %arg8[%get3A_307, %get3A_308] {strides = array<i32>} : memref<16x128xf32, #tpu.memory_space<vmem>>, vector<16xf32>,
          %add3A_310 = arith.addf %get3A_309, %while3A_271#5 : vector<16xf32>
          %swap3A_311 = arith.index_cast %while3A_244 : i32 to index
          %swap3A_312 = arith.constant 80 : index
          %swap3A_313 = tpu.vector_load %arg8[%swap3A_311, %swap3A_312] {strides = array<i32>} : memref<16x128xf32, #tpu.memory_space<vmem>>, vector<16xf32>,
          tpu.vector_store %arg8[%swap3A_311, %swap3A_312], %add3A_310 {strides = array<i32>} : memref<16x128xf32, #tpu.memory_space<vmem>>, vector<16xf32>,
          %get3A_314 = arith.index_cast %while3A_244 : i32 to index
          %get3A_315 = arith.constant 96 : index
          %get3A_316 = tpu.vector_load %arg8[%get3A_314, %get3A_315] {strides = array<i32>} : memref<16x128xf32, #tpu.memory_space<vmem>>, vector<16xf32>,
          %add3A_317 = arith.addf %get3A_316, %while3A_271#6 : vector<16xf32>
          %swap3A_318 = arith.index_cast %while3A_244 : i32 to index
          %swap3A_319 = arith.constant 96 : index
          %swap3A_320 = tpu.vector_load %arg8[%swap3A_318, %swap3A_319] {strides = array<i32>} : memref<16x128xf32, #tpu.memory_space<vmem>>, vector<16xf32>,
          tpu.vector_store %arg8[%swap3A_318, %swap3A_319], %add3A_317 {strides = array<i32>} : memref<16x128xf32, #tpu.memory_space<vmem>>, vector<16xf32>,
          %get3A_321 = arith.index_cast %while3A_244 : i32 to index
          %get3A_322 = arith.constant 112 : index
          %get3A_323 = tpu.vector_load %arg8[%get3A_321, %get3A_322] {strides = array<i32>} : memref<16x128xf32, #tpu.memory_space<vmem>>, vector<16xf32>,
          %add3A_324 = arith.addf %get3A_323, %while3A_271#7 : vector<16xf32>
          %swap3A_325 = arith.index_cast %while3A_244 : i32 to index
          %swap3A_326 = arith.constant 112 : index
          %swap3A_327 = tpu.vector_load %arg8[%swap3A_325, %swap3A_326] {strides = array<i32>} : memref<16x128xf32, #tpu.memory_space<vmem>>, vector<16xf32>,
          tpu.vector_store %arg8[%swap3A_325, %swap3A_326], %add3A_324 {strides = array<i32>} : memref<16x128xf32, #tpu.memory_space<vmem>>, vector<16xf32>,
          %add3A_328 = arith.constant 1 : i32
          %add3A_329 = arith.addi %while3A_244, %add3A_328 : i32
          scf.yield %add3A_329, %min3A_259 : i32, i32
        }
      } else {
      }
    }
    %run_scoped3A = arith.constant 0 : i32
    %run_scoped3A_102 = arith.constant 0 : i32
    "tpu.region"() ({
      %run_scoped3A_199 = tpu.sem_alloc : memref<!tpu.dma_semaphore, #tpu.memory_space<semaphore_mem>>
      %dma_start3A = arith.constant 0 : i32
      %dma_start3A_200 = tpu.memref_slice %arg8[%run_scoped3A, %dma_start3A] : memref<16x128xf32, #tpu.memory_space<vmem>> -> memref<1x128xf32, #tpu.memory_space<vmem>>
      %dma_start3A_201 = tpu.memref_squeeze %dma_start3A_200 : memref<1x128xf32, #tpu.memory_space<vmem>> -> memref<128xf32, #tpu.memory_space<vmem>>
      %dma_start3A_202 = arith.constant 0 : i32
      %dma_start3A_203 = tpu.memref_slice %arg10[%run_scoped3A_102, %arg1, %dma_start3A_202] : memref<16x16x128xf32, #tpu.memory_space<vmem_shared>> -> memref<1x1x128xf32, #tpu.memory_space<vmem_shared>>
      %dma_start3A_204 = tpu.memref_squeeze %dma_start3A_203 : memref<1x1x128xf32, #tpu.memory_space<vmem_shared>> -> memref<128xf32, #tpu.memory_space<vmem_shared>>
      %dma_start3A_205 = arith.constant 0 : i32
      %dma_start3A_206 = tpu.memref_slice %arg10[%run_scoped3A_102, %arg1, %dma_start3A_205] : memref<16x16x128xf32, #tpu.memory_space<vmem_shared>> -> memref<1x1x128xf32, #tpu.memory_space<vmem_shared>>
      %dma_start3A_207 = tpu.memref_squeeze %dma_start3A_206 : memref<1x1x128xf32, #tpu.memory_space<vmem_shared>> -> memref<128xf32, #tpu.memory_space<vmem_shared>>
      %dma_start3A_208 = arith.constant 0 : i32
      %dma_start3A_209 = tpu.memref_slice %arg8[%run_scoped3A, %dma_start3A_208] : memref<16x128xf32, #tpu.memory_space<vmem>> -> memref<1x128xf32, #tpu.memory_space<vmem>>
      %dma_start3A_210 = tpu.memref_squeeze %dma_start3A_209 : memref<1x128xf32, #tpu.memory_space<vmem>> -> memref<128xf32, #tpu.memory_space<vmem>>
      tpu.enqueue_dma source(%dma_start3A_210 : memref<128xf32, #tpu.memory_space<vmem>>) target(%dma_start3A_207 : memref<128xf32, #tpu.memory_space<vmem_shared>>) target_semaphore(%run_scoped3A_199 : memref<!tpu.dma_semaphore, #tpu.memory_space<semaphore_mem>>)
      %dma_wait3A = arith.constant 0 : i32
      %dma_wait3A_211 = tpu.memref_slice %arg8[%run_scoped3A, %dma_wait3A] : memref<16x128xf32, #tpu.memory_space<vmem>> -> memref<1x128xf32, #tpu.memory_space<vmem>>
      %dma_wait3A_212 = tpu.memref_squeeze %dma_wait3A_211 : memref<1x128xf32, #tpu.memory_space<vmem>> -> memref<128xf32, #tpu.memory_space<vmem>>
      %dma_wait3A_213 = arith.constant 0 : i32
      %dma_wait3A_214 = tpu.memref_slice %arg10[%run_scoped3A_102, %arg1, %dma_wait3A_213] : memref<16x16x128xf32, #tpu.memory_space<vmem_shared>> -> memref<1x1x128xf32, #tpu.memory_space<vmem_shared>>
      %dma_wait3A_215 = tpu.memref_squeeze %dma_wait3A_214 : memref<1x1x128xf32, #tpu.memory_space<vmem_shared>> -> memref<128xf32, #tpu.memory_space<vmem_shared>>
      %dma_wait3A_216 = arith.constant 0 : i32
      %dma_wait3A_217 = tpu.memref_slice %arg10[%run_scoped3A_102, %arg1, %dma_wait3A_216] : memref<16x16x128xf32, #tpu.memory_space<vmem_shared>> -> memref<1x1x128xf32, #tpu.memory_space<vmem_shared>>
      %dma_wait3A_218 = tpu.memref_squeeze %dma_wait3A_217 : memref<1x1x128xf32, #tpu.memory_space<vmem_shared>> -> memref<128xf32, #tpu.memory_space<vmem_shared>>
      %dma_wait3A_219 = arith.constant 0 : i32
      %dma_wait3A_220 = tpu.memref_slice %arg8[%run_scoped3A, %dma_wait3A_219] : memref<16x128xf32, #tpu.memory_space<vmem>> -> memref<1x128xf32, #tpu.memory_space<vmem>>
      %dma_wait3A_221 = tpu.memref_squeeze %dma_wait3A_220 : memref<1x128xf32, #tpu.memory_space<vmem>> -> memref<128xf32, #tpu.memory_space<vmem>>
      tpu.wait_dma2 semaphore(%run_scoped3A_199 : memref<!tpu.dma_semaphore, #tpu.memory_space<semaphore_mem>>) src(%dma_wait3A_221 : memref<128xf32, #tpu.memory_space<vmem>>) dst(%dma_wait3A_218 : memref<128xf32, #tpu.memory_space<vmem_shared>>)
      tpu.yield
    }) : () -> ()
    %run_scoped3A_103 = arith.constant 1 : i32
    %run_scoped3A_104 = arith.constant 1 : i32
    "tpu.region"() ({
      %run_scoped3A_199 = tpu.sem_alloc : memref<!tpu.dma_semaphore, #tpu.memory_space<semaphore_mem>>
      %dma_start3A = arith.constant 0 : i32
      %dma_start3A_200 = tpu.memref_slice %arg8[%run_scoped3A_103, %dma_start3A] : memref<16x128xf32, #tpu.memory_space<vmem>> -> memref<1x128xf32, #tpu.memory_space<vmem>>
      %dma_start3A_201 = tpu.memref_squeeze %dma_start3A_200 : memref<1x128xf32, #tpu.memory_space<vmem>> -> memref<128xf32, #tpu.memory_space<vmem>>
      %dma_start3A_202 = arith.constant 0 : i32
      %dma_start3A_203 = tpu.memref_slice %arg10[%run_scoped3A_104, %arg1, %dma_start3A_202] : memref<16x16x128xf32, #tpu.memory_space<vmem_shared>> -> memref<1x1x128xf32, #tpu.memory_space<vmem_shared>>
      %dma_start3A_204 = tpu.memref_squeeze %dma_start3A_203 : memref<1x1x128xf32, #tpu.memory_space<vmem_shared>> -> memref<128xf32, #tpu.memory_space<vmem_shared>>
      %dma_start3A_205 = arith.constant 0 : i32
      %dma_start3A_206 = tpu.memref_slice %arg10[%run_scoped3A_104, %arg1, %dma_start3A_205] : memref<16x16x128xf32, #tpu.memory_space<vmem_shared>> -> memref<1x1x128xf32, #tpu.memory_space<vmem_shared>>
      %dma_start3A_207 = tpu.memref_squeeze %dma_start3A_206 : memref<1x1x128xf32, #tpu.memory_space<vmem_shared>> -> memref<128xf32, #tpu.memory_space<vmem_shared>>
      %dma_start3A_208 = arith.constant 0 : i32
      %dma_start3A_209 = tpu.memref_slice %arg8[%run_scoped3A_103, %dma_start3A_208] : memref<16x128xf32, #tpu.memory_space<vmem>> -> memref<1x128xf32, #tpu.memory_space<vmem>>
      %dma_start3A_210 = tpu.memref_squeeze %dma_start3A_209 : memref<1x128xf32, #tpu.memory_space<vmem>> -> memref<128xf32, #tpu.memory_space<vmem>>
      tpu.enqueue_dma source(%dma_start3A_210 : memref<128xf32, #tpu.memory_space<vmem>>) target(%dma_start3A_207 : memref<128xf32, #tpu.memory_space<vmem_shared>>) target_semaphore(%run_scoped3A_199 : memref<!tpu.dma_semaphore, #tpu.memory_space<semaphore_mem>>)
      %dma_wait3A = arith.constant 0 : i32
      %dma_wait3A_211 = tpu.memref_slice %arg8[%run_scoped3A_103, %dma_wait3A] : memref<16x128xf32, #tpu.memory_space<vmem>> -> memref<1x128xf32, #tpu.memory_space<vmem>>
      %dma_wait3A_212 = tpu.memref_squeeze %dma_wait3A_211 : memref<1x128xf32, #tpu.memory_space<vmem>> -> memref<128xf32, #tpu.memory_space<vmem>>
      %dma_wait3A_213 = arith.constant 0 : i32
      %dma_wait3A_214 = tpu.memref_slice %arg10[%run_scoped3A_104, %arg1, %dma_wait3A_213] : memref<16x16x128xf32, #tpu.memory_space<vmem_shared>> -> memref<1x1x128xf32, #tpu.memory_space<vmem_shared>>
      %dma_wait3A_215 = tpu.memref_squeeze %dma_wait3A_214 : memref<1x1x128xf32, #tpu.memory_space<vmem_shared>> -> memref<128xf32, #tpu.memory_space<vmem_shared>>
      %dma_wait3A_216 = arith.constant 0 : i32
      %dma_wait3A_217 = tpu.memref_slice %arg10[%run_scoped3A_104, %arg1, %dma_wait3A_216] : memref<16x16x128xf32, #tpu.memory_space<vmem_shared>> -> memref<1x1x128xf32, #tpu.memory_space<vmem_shared>>
      %dma_wait3A_218 = tpu.memref_squeeze %dma_wait3A_217 : memref<1x1x128xf32, #tpu.memory_space<vmem_shared>> -> memref<128xf32, #tpu.memory_space<vmem_shared>>
      %dma_wait3A_219 = arith.constant 0 : i32
      %dma_wait3A_220 = tpu.memref_slice %arg8[%run_scoped3A_103, %dma_wait3A_219] : memref<16x128xf32, #tpu.memory_space<vmem>> -> memref<1x128xf32, #tpu.memory_space<vmem>>
      %dma_wait3A_221 = tpu.memref_squeeze %dma_wait3A_220 : memref<1x128xf32, #tpu.memory_space<vmem>> -> memref<128xf32, #tpu.memory_space<vmem>>
      tpu.wait_dma2 semaphore(%run_scoped3A_199 : memref<!tpu.dma_semaphore, #tpu.memory_space<semaphore_mem>>) src(%dma_wait3A_221 : memref<128xf32, #tpu.memory_space<vmem>>) dst(%dma_wait3A_218 : memref<128xf32, #tpu.memory_space<vmem_shared>>)
      tpu.yield
    }) : () -> ()
    %run_scoped3A_105 = arith.constant 2 : i32
    %run_scoped3A_106 = arith.constant 2 : i32
    "tpu.region"() ({
      %run_scoped3A_199 = tpu.sem_alloc : memref<!tpu.dma_semaphore, #tpu.memory_space<semaphore_mem>>
      %dma_start3A = arith.constant 0 : i32
      %dma_start3A_200 = tpu.memref_slice %arg8[%run_scoped3A_105, %dma_start3A] : memref<16x128xf32, #tpu.memory_space<vmem>> -> memref<1x128xf32, #tpu.memory_space<vmem>>
      %dma_start3A_201 = tpu.memref_squeeze %dma_start3A_200 : memref<1x128xf32, #tpu.memory_space<vmem>> -> memref<128xf32, #tpu.memory_space<vmem>>
      %dma_start3A_202 = arith.constant 0 : i32
      %dma_start3A_203 = tpu.memref_slice %arg10[%run_scoped3A_106, %arg1, %dma_start3A_202] : memref<16x16x128xf32, #tpu.memory_space<vmem_shared>> -> memref<1x1x128xf32, #tpu.memory_space<vmem_shared>>
      %dma_start3A_204 = tpu.memref_squeeze %dma_start3A_203 : memref<1x1x128xf32, #tpu.memory_space<vmem_shared>> -> memref<128xf32, #tpu.memory_space<vmem_shared>>
      %dma_start3A_205 = arith.constant 0 : i32
      %dma_start3A_206 = tpu.memref_slice %arg10[%run_scoped3A_106, %arg1, %dma_start3A_205] : memref<16x16x128xf32, #tpu.memory_space<vmem_shared>> -> memref<1x1x128xf32, #tpu.memory_space<vmem_shared>>
      %dma_start3A_207 = tpu.memref_squeeze %dma_start3A_206 : memref<1x1x128xf32, #tpu.memory_space<vmem_shared>> -> memref<128xf32, #tpu.memory_space<vmem_shared>>
      %dma_start3A_208 = arith.constant 0 : i32
      %dma_start3A_209 = tpu.memref_slice %arg8[%run_scoped3A_105, %dma_start3A_208] : memref<16x128xf32, #tpu.memory_space<vmem>> -> memref<1x128xf32, #tpu.memory_space<vmem>>
      %dma_start3A_210 = tpu.memref_squeeze %dma_start3A_209 : memref<1x128xf32, #tpu.memory_space<vmem>> -> memref<128xf32, #tpu.memory_space<vmem>>
      tpu.enqueue_dma source(%dma_start3A_210 : memref<128xf32, #tpu.memory_space<vmem>>) target(%dma_start3A_207 : memref<128xf32, #tpu.memory_space<vmem_shared>>) target_semaphore(%run_scoped3A_199 : memref<!tpu.dma_semaphore, #tpu.memory_space<semaphore_mem>>)
      %dma_wait3A = arith.constant 0 : i32
      %dma_wait3A_211 = tpu.memref_slice %arg8[%run_scoped3A_105, %dma_wait3A] : memref<16x128xf32, #tpu.memory_space<vmem>> -> memref<1x128xf32, #tpu.memory_space<vmem>>
      %dma_wait3A_212 = tpu.memref_squeeze %dma_wait3A_211 : memref<1x128xf32, #tpu.memory_space<vmem>> -> memref<128xf32, #tpu.memory_space<vmem>>
      %dma_wait3A_213 = arith.constant 0 : i32
      %dma_wait3A_214 = tpu.memref_slice %arg10[%run_scoped3A_106, %arg1, %dma_wait3A_213] : memref<16x16x128xf32, #tpu.memory_space<vmem_shared>> -> memref<1x1x128xf32, #tpu.memory_space<vmem_shared>>
      %dma_wait3A_215 = tpu.memref_squeeze %dma_wait3A_214 : memref<1x1x128xf32, #tpu.memory_space<vmem_shared>> -> memref<128xf32, #tpu.memory_space<vmem_shared>>
      %dma_wait3A_216 = arith.constant 0 : i32
      %dma_wait3A_217 = tpu.memref_slice %arg10[%run_scoped3A_106, %arg1, %dma_wait3A_216] : memref<16x16x128xf32, #tpu.memory_space<vmem_shared>> -> memref<1x1x128xf32, #tpu.memory_space<vmem_shared>>
      %dma_wait3A_218 = tpu.memref_squeeze %dma_wait3A_217 : memref<1x1x128xf32, #tpu.memory_space<vmem_shared>> -> memref<128xf32, #tpu.memory_space<vmem_shared>>
      %dma_wait3A_219 = arith.constant 0 : i32
      %dma_wait3A_220 = tpu.memref_slice %arg8[%run_scoped3A_105, %dma_wait3A_219] : memref<16x128xf32, #tpu.memory_space<vmem>> -> memref<1x128xf32, #tpu.memory_space<vmem>>
      %dma_wait3A_221 = tpu.memref_squeeze %dma_wait3A_220 : memref<1x128xf32, #tpu.memory_space<vmem>> -> memref<128xf32, #tpu.memory_space<vmem>>
      tpu.wait_dma2 semaphore(%run_scoped3A_199 : memref<!tpu.dma_semaphore, #tpu.memory_space<semaphore_mem>>) src(%dma_wait3A_221 : memref<128xf32, #tpu.memory_space<vmem>>) dst(%dma_wait3A_218 : memref<128xf32, #tpu.memory_space<vmem_shared>>)
      tpu.yield
    }) : () -> ()
    %run_scoped3A_107 = arith.constant 3 : i32
    %run_scoped3A_108 = arith.constant 3 : i32
    "tpu.region"() ({
      %run_scoped3A_199 = tpu.sem_alloc : memref<!tpu.dma_semaphore, #tpu.memory_space<semaphore_mem>>
      %dma_start3A = arith.constant 0 : i32
      %dma_start3A_200 = tpu.memref_slice %arg8[%run_scoped3A_107, %dma_start3A] : memref<16x128xf32, #tpu.memory_space<vmem>> -> memref<1x128xf32, #tpu.memory_space<vmem>>
      %dma_start3A_201 = tpu.memref_squeeze %dma_start3A_200 : memref<1x128xf32, #tpu.memory_space<vmem>> -> memref<128xf32, #tpu.memory_space<vmem>>
      %dma_start3A_202 = arith.constant 0 : i32
      %dma_start3A_203 = tpu.memref_slice %arg10[%run_scoped3A_108, %arg1, %dma_start3A_202] : memref<16x16x128xf32, #tpu.memory_space<vmem_shared>> -> memref<1x1x128xf32, #tpu.memory_space<vmem_shared>>
      %dma_start3A_204 = tpu.memref_squeeze %dma_start3A_203 : memref<1x1x128xf32, #tpu.memory_space<vmem_shared>> -> memref<128xf32, #tpu.memory_space<vmem_shared>>
      %dma_start3A_205 = arith.constant 0 : i32
      %dma_start3A_206 = tpu.memref_slice %arg10[%run_scoped3A_108, %arg1, %dma_start3A_205] : memref<16x16x128xf32, #tpu.memory_space<vmem_shared>> -> memref<1x1x128xf32, #tpu.memory_space<vmem_shared>>
      %dma_start3A_207 = tpu.memref_squeeze %dma_start3A_206 : memref<1x1x128xf32, #tpu.memory_space<vmem_shared>> -> memref<128xf32, #tpu.memory_space<vmem_shared>>
      %dma_start3A_208 = arith.constant 0 : i32
      %dma_start3A_209 = tpu.memref_slice %arg8[%run_scoped3A_107, %dma_start3A_208] : memref<16x128xf32, #tpu.memory_space<vmem>> -> memref<1x128xf32, #tpu.memory_space<vmem>>
      %dma_start3A_210 = tpu.memref_squeeze %dma_start3A_209 : memref<1x128xf32, #tpu.memory_space<vmem>> -> memref<128xf32, #tpu.memory_space<vmem>>
      tpu.enqueue_dma source(%dma_start3A_210 : memref<128xf32, #tpu.memory_space<vmem>>) target(%dma_start3A_207 : memref<128xf32, #tpu.memory_space<vmem_shared>>) target_semaphore(%run_scoped3A_199 : memref<!tpu.dma_semaphore, #tpu.memory_space<semaphore_mem>>)
      %dma_wait3A = arith.constant 0 : i32
      %dma_wait3A_211 = tpu.memref_slice %arg8[%run_scoped3A_107, %dma_wait3A] : memref<16x128xf32, #tpu.memory_space<vmem>> -> memref<1x128xf32, #tpu.memory_space<vmem>>
      %dma_wait3A_212 = tpu.memref_squeeze %dma_wait3A_211 : memref<1x128xf32, #tpu.memory_space<vmem>> -> memref<128xf32, #tpu.memory_space<vmem>>
      %dma_wait3A_213 = arith.constant 0 : i32
      %dma_wait3A_214 = tpu.memref_slice %arg10[%run_scoped3A_108, %arg1, %dma_wait3A_213] : memref<16x16x128xf32, #tpu.memory_space<vmem_shared>> -> memref<1x1x128xf32, #tpu.memory_space<vmem_shared>>
      %dma_wait3A_215 = tpu.memref_squeeze %dma_wait3A_214 : memref<1x1x128xf32, #tpu.memory_space<vmem_shared>> -> memref<128xf32, #tpu.memory_space<vmem_shared>>
      %dma_wait3A_216 = arith.constant 0 : i32
      %dma_wait3A_217 = tpu.memref_slice %arg10[%run_scoped3A_108, %arg1, %dma_wait3A_216] : memref<16x16x128xf32, #tpu.memory_space<vmem_shared>> -> memref<1x1x128xf32, #tpu.memory_space<vmem_shared>>
      %dma_wait3A_218 = tpu.memref_squeeze %dma_wait3A_217 : memref<1x1x128xf32, #tpu.memory_space<vmem_shared>> -> memref<128xf32, #tpu.memory_space<vmem_shared>>
      %dma_wait3A_219 = arith.constant 0 : i32
      %dma_wait3A_220 = tpu.memref_slice %arg8[%run_scoped3A_107, %dma_wait3A_219] : memref<16x128xf32, #tpu.memory_space<vmem>> -> memref<1x128xf32, #tpu.memory_space<vmem>>
      %dma_wait3A_221 = tpu.memref_squeeze %dma_wait3A_220 : memref<1x128xf32, #tpu.memory_space<vmem>> -> memref<128xf32, #tpu.memory_space<vmem>>
      tpu.wait_dma2 semaphore(%run_scoped3A_199 : memref<!tpu.dma_semaphore, #tpu.memory_space<semaphore_mem>>) src(%dma_wait3A_221 : memref<128xf32, #tpu.memory_space<vmem>>) dst(%dma_wait3A_218 : memref<128xf32, #tpu.memory_space<vmem_shared>>)
      tpu.yield
    }) : () -> ()
    %run_scoped3A_109 = arith.constant 4 : i32
    %run_scoped3A_110 = arith.constant 4 : i32
    "tpu.region"() ({
      %run_scoped3A_199 = tpu.sem_alloc : memref<!tpu.dma_semaphore, #tpu.memory_space<semaphore_mem>>
      %dma_start3A = arith.constant 0 : i32
      %dma_start3A_200 = tpu.memref_slice %arg8[%run_scoped3A_109, %dma_start3A] : memref<16x128xf32, #tpu.memory_space<vmem>> -> memref<1x128xf32, #tpu.memory_space<vmem>>
      %dma_start3A_201 = tpu.memref_squeeze %dma_start3A_200 : memref<1x128xf32, #tpu.memory_space<vmem>> -> memref<128xf32, #tpu.memory_space<vmem>>
      %dma_start3A_202 = arith.constant 0 : i32
      %dma_start3A_203 = tpu.memref_slice %arg10[%run_scoped3A_110, %arg1, %dma_start3A_202] : memref<16x16x128xf32, #tpu.memory_space<vmem_shared>> -> memref<1x1x128xf32, #tpu.memory_space<vmem_shared>>
      %dma_start3A_204 = tpu.memref_squeeze %dma_start3A_203 : memref<1x1x128xf32, #tpu.memory_space<vmem_shared>> -> memref<128xf32, #tpu.memory_space<vmem_shared>>
      %dma_start3A_205 = arith.constant 0 : i32
      %dma_start3A_206 = tpu.memref_slice %arg10[%run_scoped3A_110, %arg1, %dma_start3A_205] : memref<16x16x128xf32, #tpu.memory_space<vmem_shared>> -> memref<1x1x128xf32, #tpu.memory_space<vmem_shared>>
      %dma_start3A_207 = tpu.memref_squeeze %dma_start3A_206 : memref<1x1x128xf32, #tpu.memory_space<vmem_shared>> -> memref<128xf32, #tpu.memory_space<vmem_shared>>
      %dma_start3A_208 = arith.constant 0 : i32
      %dma_start3A_209 = tpu.memref_slice %arg8[%run_scoped3A_109, %dma_start3A_208] : memref<16x128xf32, #tpu.memory_space<vmem>> -> memref<1x128xf32, #tpu.memory_space<vmem>>
      %dma_start3A_210 = tpu.memref_squeeze %dma_start3A_209 : memref<1x128xf32, #tpu.memory_space<vmem>> -> memref<128xf32, #tpu.memory_space<vmem>>
      tpu.enqueue_dma source(%dma_start3A_210 : memref<128xf32, #tpu.memory_space<vmem>>) target(%dma_start3A_207 : memref<128xf32, #tpu.memory_space<vmem_shared>>) target_semaphore(%run_scoped3A_199 : memref<!tpu.dma_semaphore, #tpu.memory_space<semaphore_mem>>)
      %dma_wait3A = arith.constant 0 : i32
      %dma_wait3A_211 = tpu.memref_slice %arg8[%run_scoped3A_109, %dma_wait3A] : memref<16x128xf32, #tpu.memory_space<vmem>> -> memref<1x128xf32, #tpu.memory_space<vmem>>
      %dma_wait3A_212 = tpu.memref_squeeze %dma_wait3A_211 : memref<1x128xf32, #tpu.memory_space<vmem>> -> memref<128xf32, #tpu.memory_space<vmem>>
      %dma_wait3A_213 = arith.constant 0 : i32
      %dma_wait3A_214 = tpu.memref_slice %arg10[%run_scoped3A_110, %arg1, %dma_wait3A_213] : memref<16x16x128xf32, #tpu.memory_space<vmem_shared>> -> memref<1x1x128xf32, #tpu.memory_space<vmem_shared>>
      %dma_wait3A_215 = tpu.memref_squeeze %dma_wait3A_214 : memref<1x1x128xf32, #tpu.memory_space<vmem_shared>> -> memref<128xf32, #tpu.memory_space<vmem_shared>>
      %dma_wait3A_216 = arith.constant 0 : i32
      %dma_wait3A_217 = tpu.memref_slice %arg10[%run_scoped3A_110, %arg1, %dma_wait3A_216] : memref<16x16x128xf32, #tpu.memory_space<vmem_shared>> -> memref<1x1x128xf32, #tpu.memory_space<vmem_shared>>
      %dma_wait3A_218 = tpu.memref_squeeze %dma_wait3A_217 : memref<1x1x128xf32, #tpu.memory_space<vmem_shared>> -> memref<128xf32, #tpu.memory_space<vmem_shared>>
      %dma_wait3A_219 = arith.constant 0 : i32
      %dma_wait3A_220 = tpu.memref_slice %arg8[%run_scoped3A_109, %dma_wait3A_219] : memref<16x128xf32, #tpu.memory_space<vmem>> -> memref<1x128xf32, #tpu.memory_space<vmem>>
      %dma_wait3A_221 = tpu.memref_squeeze %dma_wait3A_220 : memref<1x128xf32, #tpu.memory_space<vmem>> -> memref<128xf32, #tpu.memory_space<vmem>>
      tpu.wait_dma2 semaphore(%run_scoped3A_199 : memref<!tpu.dma_semaphore, #tpu.memory_space<semaphore_mem>>) src(%dma_wait3A_221 : memref<128xf32, #tpu.memory_space<vmem>>) dst(%dma_wait3A_218 : memref<128xf32, #tpu.memory_space<vmem_shared>>)
      tpu.yield
    }) : () -> ()
    %run_scoped3A_111 = arith.constant 5 : i32
    %run_scoped3A_112 = arith.constant 5 : i32
    "tpu.region"() ({
      %run_scoped3A_199 = tpu.sem_alloc : memref<!tpu.dma_semaphore, #tpu.memory_space<semaphore_mem>>
      %dma_start3A = arith.constant 0 : i32
      %dma_start3A_200 = tpu.memref_slice %arg8[%run_scoped3A_111, %dma_start3A] : memref<16x128xf32, #tpu.memory_space<vmem>> -> memref<1x128xf32, #tpu.memory_space<vmem>>
      %dma_start3A_201 = tpu.memref_squeeze %dma_start3A_200 : memref<1x128xf32, #tpu.memory_space<vmem>> -> memref<128xf32, #tpu.memory_space<vmem>>
      %dma_start3A_202 = arith.constant 0 : i32
      %dma_start3A_203 = tpu.memref_slice %arg10[%run_scoped3A_112, %arg1, %dma_start3A_202] : memref<16x16x128xf32, #tpu.memory_space<vmem_shared>> -> memref<1x1x128xf32, #tpu.memory_space<vmem_shared>>
      %dma_start3A_204 = tpu.memref_squeeze %dma_start3A_203 : memref<1x1x128xf32, #tpu.memory_space<vmem_shared>> -> memref<128xf32, #tpu.memory_space<vmem_shared>>
      %dma_start3A_205 = arith.constant 0 : i32
      %dma_start3A_206 = tpu.memref_slice %arg10[%run_scoped3A_112, %arg1, %dma_start3A_205] : memref<16x16x128xf32, #tpu.memory_space<vmem_shared>> -> memref<1x1x128xf32, #tpu.memory_space<vmem_shared>>
      %dma_start3A_207 = tpu.memref_squeeze %dma_start3A_206 : memref<1x1x128xf32, #tpu.memory_space<vmem_shared>> -> memref<128xf32, #tpu.memory_space<vmem_shared>>
      %dma_start3A_208 = arith.constant 0 : i32
      %dma_start3A_209 = tpu.memref_slice %arg8[%run_scoped3A_111, %dma_start3A_208] : memref<16x128xf32, #tpu.memory_space<vmem>> -> memref<1x128xf32, #tpu.memory_space<vmem>>
      %dma_start3A_210 = tpu.memref_squeeze %dma_start3A_209 : memref<1x128xf32, #tpu.memory_space<vmem>> -> memref<128xf32, #tpu.memory_space<vmem>>
      tpu.enqueue_dma source(%dma_start3A_210 : memref<128xf32, #tpu.memory_space<vmem>>) target(%dma_start3A_207 : memref<128xf32, #tpu.memory_space<vmem_shared>>) target_semaphore(%run_scoped3A_199 : memref<!tpu.dma_semaphore, #tpu.memory_space<semaphore_mem>>)
      %dma_wait3A = arith.constant 0 : i32
      %dma_wait3A_211 = tpu.memref_slice %arg8[%run_scoped3A_111, %dma_wait3A] : memref<16x128xf32, #tpu.memory_space<vmem>> -> memref<1x128xf32, #tpu.memory_space<vmem>>
      %dma_wait3A_212 = tpu.memref_squeeze %dma_wait3A_211 : memref<1x128xf32, #tpu.memory_space<vmem>> -> memref<128xf32, #tpu.memory_space<vmem>>
      %dma_wait3A_213 = arith.constant 0 : i32
      %dma_wait3A_214 = tpu.memref_slice %arg10[%run_scoped3A_112, %arg1, %dma_wait3A_213] : memref<16x16x128xf32, #tpu.memory_space<vmem_shared>> -> memref<1x1x128xf32, #tpu.memory_space<vmem_shared>>
      %dma_wait3A_215 = tpu.memref_squeeze %dma_wait3A_214 : memref<1x1x128xf32, #tpu.memory_space<vmem_shared>> -> memref<128xf32, #tpu.memory_space<vmem_shared>>
      %dma_wait3A_216 = arith.constant 0 : i32
      %dma_wait3A_217 = tpu.memref_slice %arg10[%run_scoped3A_112, %arg1, %dma_wait3A_216] : memref<16x16x128xf32, #tpu.memory_space<vmem_shared>> -> memref<1x1x128xf32, #tpu.memory_space<vmem_shared>>
      %dma_wait3A_218 = tpu.memref_squeeze %dma_wait3A_217 : memref<1x1x128xf32, #tpu.memory_space<vmem_shared>> -> memref<128xf32, #tpu.memory_space<vmem_shared>>
      %dma_wait3A_219 = arith.constant 0 : i32
      %dma_wait3A_220 = tpu.memref_slice %arg8[%run_scoped3A_111, %dma_wait3A_219] : memref<16x128xf32, #tpu.memory_space<vmem>> -> memref<1x128xf32, #tpu.memory_space<vmem>>
      %dma_wait3A_221 = tpu.memref_squeeze %dma_wait3A_220 : memref<1x128xf32, #tpu.memory_space<vmem>> -> memref<128xf32, #tpu.memory_space<vmem>>
      tpu.wait_dma2 semaphore(%run_scoped3A_199 : memref<!tpu.dma_semaphore, #tpu.memory_space<semaphore_mem>>) src(%dma_wait3A_221 : memref<128xf32, #tpu.memory_space<vmem>>) dst(%dma_wait3A_218 : memref<128xf32, #tpu.memory_space<vmem_shared>>)
      tpu.yield
    }) : () -> ()
    %run_scoped3A_113 = arith.constant 6 : i32
    %run_scoped3A_114 = arith.constant 6 : i32
    "tpu.region"() ({
      %run_scoped3A_199 = tpu.sem_alloc : memref<!tpu.dma_semaphore, #tpu.memory_space<semaphore_mem>>
      %dma_start3A = arith.constant 0 : i32
      %dma_start3A_200 = tpu.memref_slice %arg8[%run_scoped3A_113, %dma_start3A] : memref<16x128xf32, #tpu.memory_space<vmem>> -> memref<1x128xf32, #tpu.memory_space<vmem>>
      %dma_start3A_201 = tpu.memref_squeeze %dma_start3A_200 : memref<1x128xf32, #tpu.memory_space<vmem>> -> memref<128xf32, #tpu.memory_space<vmem>>
      %dma_start3A_202 = arith.constant 0 : i32
      %dma_start3A_203 = tpu.memref_slice %arg10[%run_scoped3A_114, %arg1, %dma_start3A_202] : memref<16x16x128xf32, #tpu.memory_space<vmem_shared>> -> memref<1x1x128xf32, #tpu.memory_space<vmem_shared>>
      %dma_start3A_204 = tpu.memref_squeeze %dma_start3A_203 : memref<1x1x128xf32, #tpu.memory_space<vmem_shared>> -> memref<128xf32, #tpu.memory_space<vmem_shared>>
      %dma_start3A_205 = arith.constant 0 : i32
      %dma_start3A_206 = tpu.memref_slice %arg10[%run_scoped3A_114, %arg1, %dma_start3A_205] : memref<16x16x128xf32, #tpu.memory_space<vmem_shared>> -> memref<1x1x128xf32, #tpu.memory_space<vmem_shared>>
      %dma_start3A_207 = tpu.memref_squeeze %dma_start3A_206 : memref<1x1x128xf32, #tpu.memory_space<vmem_shared>> -> memref<128xf32, #tpu.memory_space<vmem_shared>>
      %dma_start3A_208 = arith.constant 0 : i32
      %dma_start3A_209 = tpu.memref_slice %arg8[%run_scoped3A_113, %dma_start3A_208] : memref<16x128xf32, #tpu.memory_space<vmem>> -> memref<1x128xf32, #tpu.memory_space<vmem>>
      %dma_start3A_210 = tpu.memref_squeeze %dma_start3A_209 : memref<1x128xf32, #tpu.memory_space<vmem>> -> memref<128xf32, #tpu.memory_space<vmem>>
      tpu.enqueue_dma source(%dma_start3A_210 : memref<128xf32, #tpu.memory_space<vmem>>) target(%dma_start3A_207 : memref<128xf32, #tpu.memory_space<vmem_shared>>) target_semaphore(%run_scoped3A_199 : memref<!tpu.dma_semaphore, #tpu.memory_space<semaphore_mem>>)
      %dma_wait3A = arith.constant 0 : i32
      %dma_wait3A_211 = tpu.memref_slice %arg8[%run_scoped3A_113, %dma_wait3A] : memref<16x128xf32, #tpu.memory_space<vmem>> -> memref<1x128xf32, #tpu.memory_space<vmem>>
      %dma_wait3A_212 = tpu.memref_squeeze %dma_wait3A_211 : memref<1x128xf32, #tpu.memory_space<vmem>> -> memref<128xf32, #tpu.memory_space<vmem>>
      %dma_wait3A_213 = arith.constant 0 : i32
      %dma_wait3A_214 = tpu.memref_slice %arg10[%run_scoped3A_114, %arg1, %dma_wait3A_213] : memref<16x16x128xf32, #tpu.memory_space<vmem_shared>> -> memref<1x1x128xf32, #tpu.memory_space<vmem_shared>>
      %dma_wait3A_215 = tpu.memref_squeeze %dma_wait3A_214 : memref<1x1x128xf32, #tpu.memory_space<vmem_shared>> -> memref<128xf32, #tpu.memory_space<vmem_shared>>
      %dma_wait3A_216 = arith.constant 0 : i32
      %dma_wait3A_217 = tpu.memref_slice %arg10[%run_scoped3A_114, %arg1, %dma_wait3A_216] : memref<16x16x128xf32, #tpu.memory_space<vmem_shared>> -> memref<1x1x128xf32, #tpu.memory_space<vmem_shared>>
      %dma_wait3A_218 = tpu.memref_squeeze %dma_wait3A_217 : memref<1x1x128xf32, #tpu.memory_space<vmem_shared>> -> memref<128xf32, #tpu.memory_space<vmem_shared>>
      %dma_wait3A_219 = arith.constant 0 : i32
      %dma_wait3A_220 = tpu.memref_slice %arg8[%run_scoped3A_113, %dma_wait3A_219] : memref<16x128xf32, #tpu.memory_space<vmem>> -> memref<1x128xf32, #tpu.memory_space<vmem>>
      %dma_wait3A_221 = tpu.memref_squeeze %dma_wait3A_220 : memref<1x128xf32, #tpu.memory_space<vmem>> -> memref<128xf32, #tpu.memory_space<vmem>>
      tpu.wait_dma2 semaphore(%run_scoped3A_199 : memref<!tpu.dma_semaphore, #tpu.memory_space<semaphore_mem>>) src(%dma_wait3A_221 : memref<128xf32, #tpu.memory_space<vmem>>) dst(%dma_wait3A_218 : memref<128xf32, #tpu.memory_space<vmem_shared>>)
      tpu.yield
    }) : () -> ()
    %run_scoped3A_115 = arith.constant 7 : i32
    %run_scoped3A_116 = arith.constant 7 : i32
    "tpu.region"() ({
      %run_scoped3A_199 = tpu.sem_alloc : memref<!tpu.dma_semaphore, #tpu.memory_space<semaphore_mem>>
      %dma_start3A = arith.constant 0 : i32
      %dma_start3A_200 = tpu.memref_slice %arg8[%run_scoped3A_115, %dma_start3A] : memref<16x128xf32, #tpu.memory_space<vmem>> -> memref<1x128xf32, #tpu.memory_space<vmem>>
      %dma_start3A_201 = tpu.memref_squeeze %dma_start3A_200 : memref<1x128xf32, #tpu.memory_space<vmem>> -> memref<128xf32, #tpu.memory_space<vmem>>
      %dma_start3A_202 = arith.constant 0 : i32
      %dma_start3A_203 = tpu.memref_slice %arg10[%run_scoped3A_116, %arg1, %dma_start3A_202] : memref<16x16x128xf32, #tpu.memory_space<vmem_shared>> -> memref<1x1x128xf32, #tpu.memory_space<vmem_shared>>
      %dma_start3A_204 = tpu.memref_squeeze %dma_start3A_203 : memref<1x1x128xf32, #tpu.memory_space<vmem_shared>> -> memref<128xf32, #tpu.memory_space<vmem_shared>>
      %dma_start3A_205 = arith.constant 0 : i32
      %dma_start3A_206 = tpu.memref_slice %arg10[%run_scoped3A_116, %arg1, %dma_start3A_205] : memref<16x16x128xf32, #tpu.memory_space<vmem_shared>> -> memref<1x1x128xf32, #tpu.memory_space<vmem_shared>>
      %dma_start3A_207 = tpu.memref_squeeze %dma_start3A_206 : memref<1x1x128xf32, #tpu.memory_space<vmem_shared>> -> memref<128xf32, #tpu.memory_space<vmem_shared>>
      %dma_start3A_208 = arith.constant 0 : i32
      %dma_start3A_209 = tpu.memref_slice %arg8[%run_scoped3A_115, %dma_start3A_208] : memref<16x128xf32, #tpu.memory_space<vmem>> -> memref<1x128xf32, #tpu.memory_space<vmem>>
      %dma_start3A_210 = tpu.memref_squeeze %dma_start3A_209 : memref<1x128xf32, #tpu.memory_space<vmem>> -> memref<128xf32, #tpu.memory_space<vmem>>
      tpu.enqueue_dma source(%dma_start3A_210 : memref<128xf32, #tpu.memory_space<vmem>>) target(%dma_start3A_207 : memref<128xf32, #tpu.memory_space<vmem_shared>>) target_semaphore(%run_scoped3A_199 : memref<!tpu.dma_semaphore, #tpu.memory_space<semaphore_mem>>)
      %dma_wait3A = arith.constant 0 : i32
      %dma_wait3A_211 = tpu.memref_slice %arg8[%run_scoped3A_115, %dma_wait3A] : memref<16x128xf32, #tpu.memory_space<vmem>> -> memref<1x128xf32, #tpu.memory_space<vmem>>
      %dma_wait3A_212 = tpu.memref_squeeze %dma_wait3A_211 : memref<1x128xf32, #tpu.memory_space<vmem>> -> memref<128xf32, #tpu.memory_space<vmem>>
      %dma_wait3A_213 = arith.constant 0 : i32
      %dma_wait3A_214 = tpu.memref_slice %arg10[%run_scoped3A_116, %arg1, %dma_wait3A_213] : memref<16x16x128xf32, #tpu.memory_space<vmem_shared>> -> memref<1x1x128xf32, #tpu.memory_space<vmem_shared>>
      %dma_wait3A_215 = tpu.memref_squeeze %dma_wait3A_214 : memref<1x1x128xf32, #tpu.memory_space<vmem_shared>> -> memref<128xf32, #tpu.memory_space<vmem_shared>>
      %dma_wait3A_216 = arith.constant 0 : i32
      %dma_wait3A_217 = tpu.memref_slice %arg10[%run_scoped3A_116, %arg1, %dma_wait3A_216] : memref<16x16x128xf32, #tpu.memory_space<vmem_shared>> -> memref<1x1x128xf32, #tpu.memory_space<vmem_shared>>
      %dma_wait3A_218 = tpu.memref_squeeze %dma_wait3A_217 : memref<1x1x128xf32, #tpu.memory_space<vmem_shared>> -> memref<128xf32, #tpu.memory_space<vmem_shared>>
      %dma_wait3A_219 = arith.constant 0 : i32
      %dma_wait3A_220 = tpu.memref_slice %arg8[%run_scoped3A_115, %dma_wait3A_219] : memref<16x128xf32, #tpu.memory_space<vmem>> -> memref<1x128xf32, #tpu.memory_space<vmem>>
      %dma_wait3A_221 = tpu.memref_squeeze %dma_wait3A_220 : memref<1x128xf32, #tpu.memory_space<vmem>> -> memref<128xf32, #tpu.memory_space<vmem>>
      tpu.wait_dma2 semaphore(%run_scoped3A_199 : memref<!tpu.dma_semaphore, #tpu.memory_space<semaphore_mem>>) src(%dma_wait3A_221 : memref<128xf32, #tpu.memory_space<vmem>>) dst(%dma_wait3A_218 : memref<128xf32, #tpu.memory_space<vmem_shared>>)
      tpu.yield
    }) : () -> ()
    %run_scoped3A_117 = arith.constant 8 : i32
    %run_scoped3A_118 = arith.constant 8 : i32
    "tpu.region"() ({
      %run_scoped3A_199 = tpu.sem_alloc : memref<!tpu.dma_semaphore, #tpu.memory_space<semaphore_mem>>
      %dma_start3A = arith.constant 0 : i32
      %dma_start3A_200 = tpu.memref_slice %arg8[%run_scoped3A_117, %dma_start3A] : memref<16x128xf32, #tpu.memory_space<vmem>> -> memref<1x128xf32, #tpu.memory_space<vmem>>
      %dma_start3A_201 = tpu.memref_squeeze %dma_start3A_200 : memref<1x128xf32, #tpu.memory_space<vmem>> -> memref<128xf32, #tpu.memory_space<vmem>>
      %dma_start3A_202 = arith.constant 0 : i32
      %dma_start3A_203 = tpu.memref_slice %arg10[%run_scoped3A_118, %arg1, %dma_start3A_202] : memref<16x16x128xf32, #tpu.memory_space<vmem_shared>> -> memref<1x1x128xf32, #tpu.memory_space<vmem_shared>>
      %dma_start3A_204 = tpu.memref_squeeze %dma_start3A_203 : memref<1x1x128xf32, #tpu.memory_space<vmem_shared>> -> memref<128xf32, #tpu.memory_space<vmem_shared>>
      %dma_start3A_205 = arith.constant 0 : i32
      %dma_start3A_206 = tpu.memref_slice %arg10[%run_scoped3A_118, %arg1, %dma_start3A_205] : memref<16x16x128xf32, #tpu.memory_space<vmem_shared>> -> memref<1x1x128xf32, #tpu.memory_space<vmem_shared>>
      %dma_start3A_207 = tpu.memref_squeeze %dma_start3A_206 : memref<1x1x128xf32, #tpu.memory_space<vmem_shared>> -> memref<128xf32, #tpu.memory_space<vmem_shared>>
      %dma_start3A_208 = arith.constant 0 : i32
      %dma_start3A_209 = tpu.memref_slice %arg8[%run_scoped3A_117, %dma_start3A_208] : memref<16x128xf32, #tpu.memory_space<vmem>> -> memref<1x128xf32, #tpu.memory_space<vmem>>
      %dma_start3A_210 = tpu.memref_squeeze %dma_start3A_209 : memref<1x128xf32, #tpu.memory_space<vmem>> -> memref<128xf32, #tpu.memory_space<vmem>>
      tpu.enqueue_dma source(%dma_start3A_210 : memref<128xf32, #tpu.memory_space<vmem>>) target(%dma_start3A_207 : memref<128xf32, #tpu.memory_space<vmem_shared>>) target_semaphore(%run_scoped3A_199 : memref<!tpu.dma_semaphore, #tpu.memory_space<semaphore_mem>>)
      %dma_wait3A = arith.constant 0 : i32
      %dma_wait3A_211 = tpu.memref_slice %arg8[%run_scoped3A_117, %dma_wait3A] : memref<16x128xf32, #tpu.memory_space<vmem>> -> memref<1x128xf32, #tpu.memory_space<vmem>>
      %dma_wait3A_212 = tpu.memref_squeeze %dma_wait3A_211 : memref<1x128xf32, #tpu.memory_space<vmem>> -> memref<128xf32, #tpu.memory_space<vmem>>
      %dma_wait3A_213 = arith.constant 0 : i32
      %dma_wait3A_214 = tpu.memref_slice %arg10[%run_scoped3A_118, %arg1, %dma_wait3A_213] : memref<16x16x128xf32, #tpu.memory_space<vmem_shared>> -> memref<1x1x128xf32, #tpu.memory_space<vmem_shared>>
      %dma_wait3A_215 = tpu.memref_squeeze %dma_wait3A_214 : memref<1x1x128xf32, #tpu.memory_space<vmem_shared>> -> memref<128xf32, #tpu.memory_space<vmem_shared>>
      %dma_wait3A_216 = arith.constant 0 : i32
      %dma_wait3A_217 = tpu.memref_slice %arg10[%run_scoped3A_118, %arg1, %dma_wait3A_216] : memref<16x16x128xf32, #tpu.memory_space<vmem_shared>> -> memref<1x1x128xf32, #tpu.memory_space<vmem_shared>>
      %dma_wait3A_218 = tpu.memref_squeeze %dma_wait3A_217 : memref<1x1x128xf32, #tpu.memory_space<vmem_shared>> -> memref<128xf32, #tpu.memory_space<vmem_shared>>
      %dma_wait3A_219 = arith.constant 0 : i32
      %dma_wait3A_220 = tpu.memref_slice %arg8[%run_scoped3A_117, %dma_wait3A_219] : memref<16x128xf32, #tpu.memory_space<vmem>> -> memref<1x128xf32, #tpu.memory_space<vmem>>
      %dma_wait3A_221 = tpu.memref_squeeze %dma_wait3A_220 : memref<1x128xf32, #tpu.memory_space<vmem>> -> memref<128xf32, #tpu.memory_space<vmem>>
      tpu.wait_dma2 semaphore(%run_scoped3A_199 : memref<!tpu.dma_semaphore, #tpu.memory_space<semaphore_mem>>) src(%dma_wait3A_221 : memref<128xf32, #tpu.memory_space<vmem>>) dst(%dma_wait3A_218 : memref<128xf32, #tpu.memory_space<vmem_shared>>)
      tpu.yield
    }) : () -> ()
    %run_scoped3A_119 = arith.constant 9 : i32
    %run_scoped3A_120 = arith.constant 9 : i32
    "tpu.region"() ({
      %run_scoped3A_199 = tpu.sem_alloc : memref<!tpu.dma_semaphore, #tpu.memory_space<semaphore_mem>>
      %dma_start3A = arith.constant 0 : i32
      %dma_start3A_200 = tpu.memref_slice %arg8[%run_scoped3A_119, %dma_start3A] : memref<16x128xf32, #tpu.memory_space<vmem>> -> memref<1x128xf32, #tpu.memory_space<vmem>>
      %dma_start3A_201 = tpu.memref_squeeze %dma_start3A_200 : memref<1x128xf32, #tpu.memory_space<vmem>> -> memref<128xf32, #tpu.memory_space<vmem>>
      %dma_start3A_202 = arith.constant 0 : i32
      %dma_start3A_203 = tpu.memref_slice %arg10[%run_scoped3A_120, %arg1, %dma_start3A_202] : memref<16x16x128xf32, #tpu.memory_space<vmem_shared>> -> memref<1x1x128xf32, #tpu.memory_space<vmem_shared>>
      %dma_start3A_204 = tpu.memref_squeeze %dma_start3A_203 : memref<1x1x128xf32, #tpu.memory_space<vmem_shared>> -> memref<128xf32, #tpu.memory_space<vmem_shared>>
      %dma_start3A_205 = arith.constant 0 : i32
      %dma_start3A_206 = tpu.memref_slice %arg10[%run_scoped3A_120, %arg1, %dma_start3A_205] : memref<16x16x128xf32, #tpu.memory_space<vmem_shared>> -> memref<1x1x128xf32, #tpu.memory_space<vmem_shared>>
      %dma_start3A_207 = tpu.memref_squeeze %dma_start3A_206 : memref<1x1x128xf32, #tpu.memory_space<vmem_shared>> -> memref<128xf32, #tpu.memory_space<vmem_shared>>
      %dma_start3A_208 = arith.constant 0 : i32
      %dma_start3A_209 = tpu.memref_slice %arg8[%run_scoped3A_119, %dma_start3A_208] : memref<16x128xf32, #tpu.memory_space<vmem>> -> memref<1x128xf32, #tpu.memory_space<vmem>>
      %dma_start3A_210 = tpu.memref_squeeze %dma_start3A_209 : memref<1x128xf32, #tpu.memory_space<vmem>> -> memref<128xf32, #tpu.memory_space<vmem>>
      tpu.enqueue_dma source(%dma_start3A_210 : memref<128xf32, #tpu.memory_space<vmem>>) target(%dma_start3A_207 : memref<128xf32, #tpu.memory_space<vmem_shared>>) target_semaphore(%run_scoped3A_199 : memref<!tpu.dma_semaphore, #tpu.memory_space<semaphore_mem>>)
      %dma_wait3A = arith.constant 0 : i32
      %dma_wait3A_211 = tpu.memref_slice %arg8[%run_scoped3A_119, %dma_wait3A] : memref<16x128xf32, #tpu.memory_space<vmem>> -> memref<1x128xf32, #tpu.memory_space<vmem>>
      %dma_wait3A_212 = tpu.memref_squeeze %dma_wait3A_211 : memref<1x128xf32, #tpu.memory_space<vmem>> -> memref<128xf32, #tpu.memory_space<vmem>>
      %dma_wait3A_213 = arith.constant 0 : i32
      %dma_wait3A_214 = tpu.memref_slice %arg10[%run_scoped3A_120, %arg1, %dma_wait3A_213] : memref<16x16x128xf32, #tpu.memory_space<vmem_shared>> -> memref<1x1x128xf32, #tpu.memory_space<vmem_shared>>
      %dma_wait3A_215 = tpu.memref_squeeze %dma_wait3A_214 : memref<1x1x128xf32, #tpu.memory_space<vmem_shared>> -> memref<128xf32, #tpu.memory_space<vmem_shared>>
      %dma_wait3A_216 = arith.constant 0 : i32
      %dma_wait3A_217 = tpu.memref_slice %arg10[%run_scoped3A_120, %arg1, %dma_wait3A_216] : memref<16x16x128xf32, #tpu.memory_space<vmem_shared>> -> memref<1x1x128xf32, #tpu.memory_space<vmem_shared>>
      %dma_wait3A_218 = tpu.memref_squeeze %dma_wait3A_217 : memref<1x1x128xf32, #tpu.memory_space<vmem_shared>> -> memref<128xf32, #tpu.memory_space<vmem_shared>>
      %dma_wait3A_219 = arith.constant 0 : i32
      %dma_wait3A_220 = tpu.memref_slice %arg8[%run_scoped3A_119, %dma_wait3A_219] : memref<16x128xf32, #tpu.memory_space<vmem>> -> memref<1x128xf32, #tpu.memory_space<vmem>>
      %dma_wait3A_221 = tpu.memref_squeeze %dma_wait3A_220 : memref<1x128xf32, #tpu.memory_space<vmem>> -> memref<128xf32, #tpu.memory_space<vmem>>
      tpu.wait_dma2 semaphore(%run_scoped3A_199 : memref<!tpu.dma_semaphore, #tpu.memory_space<semaphore_mem>>) src(%dma_wait3A_221 : memref<128xf32, #tpu.memory_space<vmem>>) dst(%dma_wait3A_218 : memref<128xf32, #tpu.memory_space<vmem_shared>>)
      tpu.yield
    }) : () -> ()
    %run_scoped3A_121 = arith.constant 10 : i32
    %run_scoped3A_122 = arith.constant 10 : i32
    "tpu.region"() ({
      %run_scoped3A_199 = tpu.sem_alloc : memref<!tpu.dma_semaphore, #tpu.memory_space<semaphore_mem>>
      %dma_start3A = arith.constant 0 : i32
      %dma_start3A_200 = tpu.memref_slice %arg8[%run_scoped3A_121, %dma_start3A] : memref<16x128xf32, #tpu.memory_space<vmem>> -> memref<1x128xf32, #tpu.memory_space<vmem>>
      %dma_start3A_201 = tpu.memref_squeeze %dma_start3A_200 : memref<1x128xf32, #tpu.memory_space<vmem>> -> memref<128xf32, #tpu.memory_space<vmem>>
      %dma_start3A_202 = arith.constant 0 : i32
      %dma_start3A_203 = tpu.memref_slice %arg10[%run_scoped3A_122, %arg1, %dma_start3A_202] : memref<16x16x128xf32, #tpu.memory_space<vmem_shared>> -> memref<1x1x128xf32, #tpu.memory_space<vmem_shared>>
      %dma_start3A_204 = tpu.memref_squeeze %dma_start3A_203 : memref<1x1x128xf32, #tpu.memory_space<vmem_shared>> -> memref<128xf32, #tpu.memory_space<vmem_shared>>
      %dma_start3A_205 = arith.constant 0 : i32
      %dma_start3A_206 = tpu.memref_slice %arg10[%run_scoped3A_122, %arg1, %dma_start3A_205] : memref<16x16x128xf32, #tpu.memory_space<vmem_shared>> -> memref<1x1x128xf32, #tpu.memory_space<vmem_shared>>
      %dma_start3A_207 = tpu.memref_squeeze %dma_start3A_206 : memref<1x1x128xf32, #tpu.memory_space<vmem_shared>> -> memref<128xf32, #tpu.memory_space<vmem_shared>>
      %dma_start3A_208 = arith.constant 0 : i32
      %dma_start3A_209 = tpu.memref_slice %arg8[%run_scoped3A_121, %dma_start3A_208] : memref<16x128xf32, #tpu.memory_space<vmem>> -> memref<1x128xf32, #tpu.memory_space<vmem>>
      %dma_start3A_210 = tpu.memref_squeeze %dma_start3A_209 : memref<1x128xf32, #tpu.memory_space<vmem>> -> memref<128xf32, #tpu.memory_space<vmem>>
      tpu.enqueue_dma source(%dma_start3A_210 : memref<128xf32, #tpu.memory_space<vmem>>) target(%dma_start3A_207 : memref<128xf32, #tpu.memory_space<vmem_shared>>) target_semaphore(%run_scoped3A_199 : memref<!tpu.dma_semaphore, #tpu.memory_space<semaphore_mem>>)
      %dma_wait3A = arith.constant 0 : i32
      %dma_wait3A_211 = tpu.memref_slice %arg8[%run_scoped3A_121, %dma_wait3A] : memref<16x128xf32, #tpu.memory_space<vmem>> -> memref<1x128xf32, #tpu.memory_space<vmem>>
      %dma_wait3A_212 = tpu.memref_squeeze %dma_wait3A_211 : memref<1x128xf32, #tpu.memory_space<vmem>> -> memref<128xf32, #tpu.memory_space<vmem>>
      %dma_wait3A_213 = arith.constant 0 : i32
      %dma_wait3A_214 = tpu.memref_slice %arg10[%run_scoped3A_122, %arg1, %dma_wait3A_213] : memref<16x16x128xf32, #tpu.memory_space<vmem_shared>> -> memref<1x1x128xf32, #tpu.memory_space<vmem_shared>>
      %dma_wait3A_215 = tpu.memref_squeeze %dma_wait3A_214 : memref<1x1x128xf32, #tpu.memory_space<vmem_shared>> -> memref<128xf32, #tpu.memory_space<vmem_shared>>
      %dma_wait3A_216 = arith.constant 0 : i32
      %dma_wait3A_217 = tpu.memref_slice %arg10[%run_scoped3A_122, %arg1, %dma_wait3A_216] : memref<16x16x128xf32, #tpu.memory_space<vmem_shared>> -> memref<1x1x128xf32, #tpu.memory_space<vmem_shared>>
      %dma_wait3A_218 = tpu.memref_squeeze %dma_wait3A_217 : memref<1x1x128xf32, #tpu.memory_space<vmem_shared>> -> memref<128xf32, #tpu.memory_space<vmem_shared>>
      %dma_wait3A_219 = arith.constant 0 : i32
      %dma_wait3A_220 = tpu.memref_slice %arg8[%run_scoped3A_121, %dma_wait3A_219] : memref<16x128xf32, #tpu.memory_space<vmem>> -> memref<1x128xf32, #tpu.memory_space<vmem>>
      %dma_wait3A_221 = tpu.memref_squeeze %dma_wait3A_220 : memref<1x128xf32, #tpu.memory_space<vmem>> -> memref<128xf32, #tpu.memory_space<vmem>>
      tpu.wait_dma2 semaphore(%run_scoped3A_199 : memref<!tpu.dma_semaphore, #tpu.memory_space<semaphore_mem>>) src(%dma_wait3A_221 : memref<128xf32, #tpu.memory_space<vmem>>) dst(%dma_wait3A_218 : memref<128xf32, #tpu.memory_space<vmem_shared>>)
      tpu.yield
    }) : () -> ()
    %run_scoped3A_123 = arith.constant 11 : i32
    %run_scoped3A_124 = arith.constant 11 : i32
    "tpu.region"() ({
      %run_scoped3A_199 = tpu.sem_alloc : memref<!tpu.dma_semaphore, #tpu.memory_space<semaphore_mem>>
      %dma_start3A = arith.constant 0 : i32
      %dma_start3A_200 = tpu.memref_slice %arg8[%run_scoped3A_123, %dma_start3A] : memref<16x128xf32, #tpu.memory_space<vmem>> -> memref<1x128xf32, #tpu.memory_space<vmem>>
      %dma_start3A_201 = tpu.memref_squeeze %dma_start3A_200 : memref<1x128xf32, #tpu.memory_space<vmem>> -> memref<128xf32, #tpu.memory_space<vmem>>
      %dma_start3A_202 = arith.constant 0 : i32
      %dma_start3A_203 = tpu.memref_slice %arg10[%run_scoped3A_124, %arg1, %dma_start3A_202] : memref<16x16x128xf32, #tpu.memory_space<vmem_shared>> -> memref<1x1x128xf32, #tpu.memory_space<vmem_shared>>
      %dma_start3A_204 = tpu.memref_squeeze %dma_start3A_203 : memref<1x1x128xf32, #tpu.memory_space<vmem_shared>> -> memref<128xf32, #tpu.memory_space<vmem_shared>>
      %dma_start3A_205 = arith.constant 0 : i32
      %dma_start3A_206 = tpu.memref_slice %arg10[%run_scoped3A_124, %arg1, %dma_start3A_205] : memref<16x16x128xf32, #tpu.memory_space<vmem_shared>> -> memref<1x1x128xf32, #tpu.memory_space<vmem_shared>>
      %dma_start3A_207 = tpu.memref_squeeze %dma_start3A_206 : memref<1x1x128xf32, #tpu.memory_space<vmem_shared>> -> memref<128xf32, #tpu.memory_space<vmem_shared>>
      %dma_start3A_208 = arith.constant 0 : i32
      %dma_start3A_209 = tpu.memref_slice %arg8[%run_scoped3A_123, %dma_start3A_208] : memref<16x128xf32, #tpu.memory_space<vmem>> -> memref<1x128xf32, #tpu.memory_space<vmem>>
      %dma_start3A_210 = tpu.memref_squeeze %dma_start3A_209 : memref<1x128xf32, #tpu.memory_space<vmem>> -> memref<128xf32, #tpu.memory_space<vmem>>
      tpu.enqueue_dma source(%dma_start3A_210 : memref<128xf32, #tpu.memory_space<vmem>>) target(%dma_start3A_207 : memref<128xf32, #tpu.memory_space<vmem_shared>>) target_semaphore(%run_scoped3A_199 : memref<!tpu.dma_semaphore, #tpu.memory_space<semaphore_mem>>)
      %dma_wait3A = arith.constant 0 : i32
      %dma_wait3A_211 = tpu.memref_slice %arg8[%run_scoped3A_123, %dma_wait3A] : memref<16x128xf32, #tpu.memory_space<vmem>> -> memref<1x128xf32, #tpu.memory_space<vmem>>
      %dma_wait3A_212 = tpu.memref_squeeze %dma_wait3A_211 : memref<1x128xf32, #tpu.memory_space<vmem>> -> memref<128xf32, #tpu.memory_space<vmem>>
      %dma_wait3A_213 = arith.constant 0 : i32
      %dma_wait3A_214 = tpu.memref_slice %arg10[%run_scoped3A_124, %arg1, %dma_wait3A_213] : memref<16x16x128xf32, #tpu.memory_space<vmem_shared>> -> memref<1x1x128xf32, #tpu.memory_space<vmem_shared>>
      %dma_wait3A_215 = tpu.memref_squeeze %dma_wait3A_214 : memref<1x1x128xf32, #tpu.memory_space<vmem_shared>> -> memref<128xf32, #tpu.memory_space<vmem_shared>>
      %dma_wait3A_216 = arith.constant 0 : i32
      %dma_wait3A_217 = tpu.memref_slice %arg10[%run_scoped3A_124, %arg1, %dma_wait3A_216] : memref<16x16x128xf32, #tpu.memory_space<vmem_shared>> -> memref<1x1x128xf32, #tpu.memory_space<vmem_shared>>
      %dma_wait3A_218 = tpu.memref_squeeze %dma_wait3A_217 : memref<1x1x128xf32, #tpu.memory_space<vmem_shared>> -> memref<128xf32, #tpu.memory_space<vmem_shared>>
      %dma_wait3A_219 = arith.constant 0 : i32
      %dma_wait3A_220 = tpu.memref_slice %arg8[%run_scoped3A_123, %dma_wait3A_219] : memref<16x128xf32, #tpu.memory_space<vmem>> -> memref<1x128xf32, #tpu.memory_space<vmem>>
      %dma_wait3A_221 = tpu.memref_squeeze %dma_wait3A_220 : memref<1x128xf32, #tpu.memory_space<vmem>> -> memref<128xf32, #tpu.memory_space<vmem>>
      tpu.wait_dma2 semaphore(%run_scoped3A_199 : memref<!tpu.dma_semaphore, #tpu.memory_space<semaphore_mem>>) src(%dma_wait3A_221 : memref<128xf32, #tpu.memory_space<vmem>>) dst(%dma_wait3A_218 : memref<128xf32, #tpu.memory_space<vmem_shared>>)
      tpu.yield
    }) : () -> ()
    %run_scoped3A_125 = arith.constant 12 : i32
    %run_scoped3A_126 = arith.constant 12 : i32
    "tpu.region"() ({
      %run_scoped3A_199 = tpu.sem_alloc : memref<!tpu.dma_semaphore, #tpu.memory_space<semaphore_mem>>
      %dma_start3A = arith.constant 0 : i32
      %dma_start3A_200 = tpu.memref_slice %arg8[%run_scoped3A_125, %dma_start3A] : memref<16x128xf32, #tpu.memory_space<vmem>> -> memref<1x128xf32, #tpu.memory_space<vmem>>
      %dma_start3A_201 = tpu.memref_squeeze %dma_start3A_200 : memref<1x128xf32, #tpu.memory_space<vmem>> -> memref<128xf32, #tpu.memory_space<vmem>>
      %dma_start3A_202 = arith.constant 0 : i32
      %dma_start3A_203 = tpu.memref_slice %arg10[%run_scoped3A_126, %arg1, %dma_start3A_202] : memref<16x16x128xf32, #tpu.memory_space<vmem_shared>> -> memref<1x1x128xf32, #tpu.memory_space<vmem_shared>>
      %dma_start3A_204 = tpu.memref_squeeze %dma_start3A_203 : memref<1x1x128xf32, #tpu.memory_space<vmem_shared>> -> memref<128xf32, #tpu.memory_space<vmem_shared>>
      %dma_start3A_205 = arith.constant 0 : i32
      %dma_start3A_206 = tpu.memref_slice %arg10[%run_scoped3A_126, %arg1, %dma_start3A_205] : memref<16x16x128xf32, #tpu.memory_space<vmem_shared>> -> memref<1x1x128xf32, #tpu.memory_space<vmem_shared>>
      %dma_start3A_207 = tpu.memref_squeeze %dma_start3A_206 : memref<1x1x128xf32, #tpu.memory_space<vmem_shared>> -> memref<128xf32, #tpu.memory_space<vmem_shared>>
      %dma_start3A_208 = arith.constant 0 : i32
      %dma_start3A_209 = tpu.memref_slice %arg8[%run_scoped3A_125, %dma_start3A_208] : memref<16x128xf32, #tpu.memory_space<vmem>> -> memref<1x128xf32, #tpu.memory_space<vmem>>
      %dma_start3A_210 = tpu.memref_squeeze %dma_start3A_209 : memref<1x128xf32, #tpu.memory_space<vmem>> -> memref<128xf32, #tpu.memory_space<vmem>>
      tpu.enqueue_dma source(%dma_start3A_210 : memref<128xf32, #tpu.memory_space<vmem>>) target(%dma_start3A_207 : memref<128xf32, #tpu.memory_space<vmem_shared>>) target_semaphore(%run_scoped3A_199 : memref<!tpu.dma_semaphore, #tpu.memory_space<semaphore_mem>>)
      %dma_wait3A = arith.constant 0 : i32
      %dma_wait3A_211 = tpu.memref_slice %arg8[%run_scoped3A_125, %dma_wait3A] : memref<16x128xf32, #tpu.memory_space<vmem>> -> memref<1x128xf32, #tpu.memory_space<vmem>>
      %dma_wait3A_212 = tpu.memref_squeeze %dma_wait3A_211 : memref<1x128xf32, #tpu.memory_space<vmem>> -> memref<128xf32, #tpu.memory_space<vmem>>
      %dma_wait3A_213 = arith.constant 0 : i32
      %dma_wait3A_214 = tpu.memref_slice %arg10[%run_scoped3A_126, %arg1, %dma_wait3A_213] : memref<16x16x128xf32, #tpu.memory_space<vmem_shared>> -> memref<1x1x128xf32, #tpu.memory_space<vmem_shared>>
      %dma_wait3A_215 = tpu.memref_squeeze %dma_wait3A_214 : memref<1x1x128xf32, #tpu.memory_space<vmem_shared>> -> memref<128xf32, #tpu.memory_space<vmem_shared>>
      %dma_wait3A_216 = arith.constant 0 : i32
      %dma_wait3A_217 = tpu.memref_slice %arg10[%run_scoped3A_126, %arg1, %dma_wait3A_216] : memref<16x16x128xf32, #tpu.memory_space<vmem_shared>> -> memref<1x1x128xf32, #tpu.memory_space<vmem_shared>>
      %dma_wait3A_218 = tpu.memref_squeeze %dma_wait3A_217 : memref<1x1x128xf32, #tpu.memory_space<vmem_shared>> -> memref<128xf32, #tpu.memory_space<vmem_shared>>
      %dma_wait3A_219 = arith.constant 0 : i32
      %dma_wait3A_220 = tpu.memref_slice %arg8[%run_scoped3A_125, %dma_wait3A_219] : memref<16x128xf32, #tpu.memory_space<vmem>> -> memref<1x128xf32, #tpu.memory_space<vmem>>
      %dma_wait3A_221 = tpu.memref_squeeze %dma_wait3A_220 : memref<1x128xf32, #tpu.memory_space<vmem>> -> memref<128xf32, #tpu.memory_space<vmem>>
      tpu.wait_dma2 semaphore(%run_scoped3A_199 : memref<!tpu.dma_semaphore, #tpu.memory_space<semaphore_mem>>) src(%dma_wait3A_221 : memref<128xf32, #tpu.memory_space<vmem>>) dst(%dma_wait3A_218 : memref<128xf32, #tpu.memory_space<vmem_shared>>)
      tpu.yield
    }) : () -> ()
    %run_scoped3A_127 = arith.constant 13 : i32
    %run_scoped3A_128 = arith.constant 13 : i32
    "tpu.region"() ({
      %run_scoped3A_199 = tpu.sem_alloc : memref<!tpu.dma_semaphore, #tpu.memory_space<semaphore_mem>>
      %dma_start3A = arith.constant 0 : i32
      %dma_start3A_200 = tpu.memref_slice %arg8[%run_scoped3A_127, %dma_start3A] : memref<16x128xf32, #tpu.memory_space<vmem>> -> memref<1x128xf32, #tpu.memory_space<vmem>>
      %dma_start3A_201 = tpu.memref_squeeze %dma_start3A_200 : memref<1x128xf32, #tpu.memory_space<vmem>> -> memref<128xf32, #tpu.memory_space<vmem>>
      %dma_start3A_202 = arith.constant 0 : i32
      %dma_start3A_203 = tpu.memref_slice %arg10[%run_scoped3A_128, %arg1, %dma_start3A_202] : memref<16x16x128xf32, #tpu.memory_space<vmem_shared>> -> memref<1x1x128xf32, #tpu.memory_space<vmem_shared>>
      %dma_start3A_204 = tpu.memref_squeeze %dma_start3A_203 : memref<1x1x128xf32, #tpu.memory_space<vmem_shared>> -> memref<128xf32, #tpu.memory_space<vmem_shared>>
      %dma_start3A_205 = arith.constant 0 : i32
      %dma_start3A_206 = tpu.memref_slice %arg10[%run_scoped3A_128, %arg1, %dma_start3A_205] : memref<16x16x128xf32, #tpu.memory_space<vmem_shared>> -> memref<1x1x128xf32, #tpu.memory_space<vmem_shared>>
      %dma_start3A_207 = tpu.memref_squeeze %dma_start3A_206 : memref<1x1x128xf32, #tpu.memory_space<vmem_shared>> -> memref<128xf32, #tpu.memory_space<vmem_shared>>
      %dma_start3A_208 = arith.constant 0 : i32
      %dma_start3A_209 = tpu.memref_slice %arg8[%run_scoped3A_127, %dma_start3A_208] : memref<16x128xf32, #tpu.memory_space<vmem>> -> memref<1x128xf32, #tpu.memory_space<vmem>>
      %dma_start3A_210 = tpu.memref_squeeze %dma_start3A_209 : memref<1x128xf32, #tpu.memory_space<vmem>> -> memref<128xf32, #tpu.memory_space<vmem>>
      tpu.enqueue_dma source(%dma_start3A_210 : memref<128xf32, #tpu.memory_space<vmem>>) target(%dma_start3A_207 : memref<128xf32, #tpu.memory_space<vmem_shared>>) target_semaphore(%run_scoped3A_199 : memref<!tpu.dma_semaphore, #tpu.memory_space<semaphore_mem>>)
      %dma_wait3A = arith.constant 0 : i32
      %dma_wait3A_211 = tpu.memref_slice %arg8[%run_scoped3A_127, %dma_wait3A] : memref<16x128xf32, #tpu.memory_space<vmem>> -> memref<1x128xf32, #tpu.memory_space<vmem>>
      %dma_wait3A_212 = tpu.memref_squeeze %dma_wait3A_211 : memref<1x128xf32, #tpu.memory_space<vmem>> -> memref<128xf32, #tpu.memory_space<vmem>>
      %dma_wait3A_213 = arith.constant 0 : i32
      %dma_wait3A_214 = tpu.memref_slice %arg10[%run_scoped3A_128, %arg1, %dma_wait3A_213] : memref<16x16x128xf32, #tpu.memory_space<vmem_shared>> -> memref<1x1x128xf32, #tpu.memory_space<vmem_shared>>
      %dma_wait3A_215 = tpu.memref_squeeze %dma_wait3A_214 : memref<1x1x128xf32, #tpu.memory_space<vmem_shared>> -> memref<128xf32, #tpu.memory_space<vmem_shared>>
      %dma_wait3A_216 = arith.constant 0 : i32
      %dma_wait3A_217 = tpu.memref_slice %arg10[%run_scoped3A_128, %arg1, %dma_wait3A_216] : memref<16x16x128xf32, #tpu.memory_space<vmem_shared>> -> memref<1x1x128xf32, #tpu.memory_space<vmem_shared>>
      %dma_wait3A_218 = tpu.memref_squeeze %dma_wait3A_217 : memref<1x1x128xf32, #tpu.memory_space<vmem_shared>> -> memref<128xf32, #tpu.memory_space<vmem_shared>>
      %dma_wait3A_219 = arith.constant 0 : i32
      %dma_wait3A_220 = tpu.memref_slice %arg8[%run_scoped3A_127, %dma_wait3A_219] : memref<16x128xf32, #tpu.memory_space<vmem>> -> memref<1x128xf32, #tpu.memory_space<vmem>>
      %dma_wait3A_221 = tpu.memref_squeeze %dma_wait3A_220 : memref<1x128xf32, #tpu.memory_space<vmem>> -> memref<128xf32, #tpu.memory_space<vmem>>
      tpu.wait_dma2 semaphore(%run_scoped3A_199 : memref<!tpu.dma_semaphore, #tpu.memory_space<semaphore_mem>>) src(%dma_wait3A_221 : memref<128xf32, #tpu.memory_space<vmem>>) dst(%dma_wait3A_218 : memref<128xf32, #tpu.memory_space<vmem_shared>>)
      tpu.yield
    }) : () -> ()
    %run_scoped3A_129 = arith.constant 14 : i32
    %run_scoped3A_130 = arith.constant 14 : i32
    "tpu.region"() ({
      %run_scoped3A_199 = tpu.sem_alloc : memref<!tpu.dma_semaphore, #tpu.memory_space<semaphore_mem>>
      %dma_start3A = arith.constant 0 : i32
      %dma_start3A_200 = tpu.memref_slice %arg8[%run_scoped3A_129, %dma_start3A] : memref<16x128xf32, #tpu.memory_space<vmem>> -> memref<1x128xf32, #tpu.memory_space<vmem>>
      %dma_start3A_201 = tpu.memref_squeeze %dma_start3A_200 : memref<1x128xf32, #tpu.memory_space<vmem>> -> memref<128xf32, #tpu.memory_space<vmem>>
      %dma_start3A_202 = arith.constant 0 : i32
      %dma_start3A_203 = tpu.memref_slice %arg10[%run_scoped3A_130, %arg1, %dma_start3A_202] : memref<16x16x128xf32, #tpu.memory_space<vmem_shared>> -> memref<1x1x128xf32, #tpu.memory_space<vmem_shared>>
      %dma_start3A_204 = tpu.memref_squeeze %dma_start3A_203 : memref<1x1x128xf32, #tpu.memory_space<vmem_shared>> -> memref<128xf32, #tpu.memory_space<vmem_shared>>
      %dma_start3A_205 = arith.constant 0 : i32
      %dma_start3A_206 = tpu.memref_slice %arg10[%run_scoped3A_130, %arg1, %dma_start3A_205] : memref<16x16x128xf32, #tpu.memory_space<vmem_shared>> -> memref<1x1x128xf32, #tpu.memory_space<vmem_shared>>
      %dma_start3A_207 = tpu.memref_squeeze %dma_start3A_206 : memref<1x1x128xf32, #tpu.memory_space<vmem_shared>> -> memref<128xf32, #tpu.memory_space<vmem_shared>>
      %dma_start3A_208 = arith.constant 0 : i32
      %dma_start3A_209 = tpu.memref_slice %arg8[%run_scoped3A_129, %dma_start3A_208] : memref<16x128xf32, #tpu.memory_space<vmem>> -> memref<1x128xf32, #tpu.memory_space<vmem>>
      %dma_start3A_210 = tpu.memref_squeeze %dma_start3A_209 : memref<1x128xf32, #tpu.memory_space<vmem>> -> memref<128xf32, #tpu.memory_space<vmem>>
      tpu.enqueue_dma source(%dma_start3A_210 : memref<128xf32, #tpu.memory_space<vmem>>) target(%dma_start3A_207 : memref<128xf32, #tpu.memory_space<vmem_shared>>) target_semaphore(%run_scoped3A_199 : memref<!tpu.dma_semaphore, #tpu.memory_space<semaphore_mem>>)
      %dma_wait3A = arith.constant 0 : i32
      %dma_wait3A_211 = tpu.memref_slice %arg8[%run_scoped3A_129, %dma_wait3A] : memref<16x128xf32, #tpu.memory_space<vmem>> -> memref<1x128xf32, #tpu.memory_space<vmem>>
      %dma_wait3A_212 = tpu.memref_squeeze %dma_wait3A_211 : memref<1x128xf32, #tpu.memory_space<vmem>> -> memref<128xf32, #tpu.memory_space<vmem>>
      %dma_wait3A_213 = arith.constant 0 : i32
      %dma_wait3A_214 = tpu.memref_slice %arg10[%run_scoped3A_130, %arg1, %dma_wait3A_213] : memref<16x16x128xf32, #tpu.memory_space<vmem_shared>> -> memref<1x1x128xf32, #tpu.memory_space<vmem_shared>>
      %dma_wait3A_215 = tpu.memref_squeeze %dma_wait3A_214 : memref<1x1x128xf32, #tpu.memory_space<vmem_shared>> -> memref<128xf32, #tpu.memory_space<vmem_shared>>
      %dma_wait3A_216 = arith.constant 0 : i32
      %dma_wait3A_217 = tpu.memref_slice %arg10[%run_scoped3A_130, %arg1, %dma_wait3A_216] : memref<16x16x128xf32, #tpu.memory_space<vmem_shared>> -> memref<1x1x128xf32, #tpu.memory_space<vmem_shared>>
      %dma_wait3A_218 = tpu.memref_squeeze %dma_wait3A_217 : memref<1x1x128xf32, #tpu.memory_space<vmem_shared>> -> memref<128xf32, #tpu.memory_space<vmem_shared>>
      %dma_wait3A_219 = arith.constant 0 : i32
      %dma_wait3A_220 = tpu.memref_slice %arg8[%run_scoped3A_129, %dma_wait3A_219] : memref<16x128xf32, #tpu.memory_space<vmem>> -> memref<1x128xf32, #tpu.memory_space<vmem>>
      %dma_wait3A_221 = tpu.memref_squeeze %dma_wait3A_220 : memref<1x128xf32, #tpu.memory_space<vmem>> -> memref<128xf32, #tpu.memory_space<vmem>>
      tpu.wait_dma2 semaphore(%run_scoped3A_199 : memref<!tpu.dma_semaphore, #tpu.memory_space<semaphore_mem>>) src(%dma_wait3A_221 : memref<128xf32, #tpu.memory_space<vmem>>) dst(%dma_wait3A_218 : memref<128xf32, #tpu.memory_space<vmem_shared>>)
      tpu.yield
    }) : () -> ()
    %run_scoped3A_131 = arith.constant 15 : i32
    %run_scoped3A_132 = arith.constant 15 : i32
    "tpu.region"() ({
      %run_scoped3A_199 = tpu.sem_alloc : memref<!tpu.dma_semaphore, #tpu.memory_space<semaphore_mem>>
      %dma_start3A = arith.constant 0 : i32
      %dma_start3A_200 = tpu.memref_slice %arg8[%run_scoped3A_131, %dma_start3A] : memref<16x128xf32, #tpu.memory_space<vmem>> -> memref<1x128xf32, #tpu.memory_space<vmem>>
      %dma_start3A_201 = tpu.memref_squeeze %dma_start3A_200 : memref<1x128xf32, #tpu.memory_space<vmem>> -> memref<128xf32, #tpu.memory_space<vmem>>
      %dma_start3A_202 = arith.constant 0 : i32
      %dma_start3A_203 = tpu.memref_slice %arg10[%run_scoped3A_132, %arg1, %dma_start3A_202] : memref<16x16x128xf32, #tpu.memory_space<vmem_shared>> -> memref<1x1x128xf32, #tpu.memory_space<vmem_shared>>
      %dma_start3A_204 = tpu.memref_squeeze %dma_start3A_203 : memref<1x1x128xf32, #tpu.memory_space<vmem_shared>> -> memref<128xf32, #tpu.memory_space<vmem_shared>>
      %dma_start3A_205 = arith.constant 0 : i32
      %dma_start3A_206 = tpu.memref_slice %arg10[%run_scoped3A_132, %arg1, %dma_start3A_205] : memref<16x16x128xf32, #tpu.memory_space<vmem_shared>> -> memref<1x1x128xf32, #tpu.memory_space<vmem_shared>>
      %dma_start3A_207 = tpu.memref_squeeze %dma_start3A_206 : memref<1x1x128xf32, #tpu.memory_space<vmem_shared>> -> memref<128xf32, #tpu.memory_space<vmem_shared>>
      %dma_start3A_208 = arith.constant 0 : i32
      %dma_start3A_209 = tpu.memref_slice %arg8[%run_scoped3A_131, %dma_start3A_208] : memref<16x128xf32, #tpu.memory_space<vmem>> -> memref<1x128xf32, #tpu.memory_space<vmem>>
      %dma_start3A_210 = tpu.memref_squeeze %dma_start3A_209 : memref<1x128xf32, #tpu.memory_space<vmem>> -> memref<128xf32, #tpu.memory_space<vmem>>
      tpu.enqueue_dma source(%dma_start3A_210 : memref<128xf32, #tpu.memory_space<vmem>>) target(%dma_start3A_207 : memref<128xf32, #tpu.memory_space<vmem_shared>>) target_semaphore(%run_scoped3A_199 : memref<!tpu.dma_semaphore, #tpu.memory_space<semaphore_mem>>)
      %dma_wait3A = arith.constant 0 : i32
      %dma_wait3A_211 = tpu.memref_slice %arg8[%run_scoped3A_131, %dma_wait3A] : memref<16x128xf32, #tpu.memory_space<vmem>> -> memref<1x128xf32, #tpu.memory_space<vmem>>
      %dma_wait3A_212 = tpu.memref_squeeze %dma_wait3A_211 : memref<1x128xf32, #tpu.memory_space<vmem>> -> memref<128xf32, #tpu.memory_space<vmem>>
      %dma_wait3A_213 = arith.constant 0 : i32
      %dma_wait3A_214 = tpu.memref_slice %arg10[%run_scoped3A_132, %arg1, %dma_wait3A_213] : memref<16x16x128xf32, #tpu.memory_space<vmem_shared>> -> memref<1x1x128xf32, #tpu.memory_space<vmem_shared>>
      %dma_wait3A_215 = tpu.memref_squeeze %dma_wait3A_214 : memref<1x1x128xf32, #tpu.memory_space<vmem_shared>> -> memref<128xf32, #tpu.memory_space<vmem_shared>>
      %dma_wait3A_216 = arith.constant 0 : i32
      %dma_wait3A_217 = tpu.memref_slice %arg10[%run_scoped3A_132, %arg1, %dma_wait3A_216] : memref<16x16x128xf32, #tpu.memory_space<vmem_shared>> -> memref<1x1x128xf32, #tpu.memory_space<vmem_shared>>
      %dma_wait3A_218 = tpu.memref_squeeze %dma_wait3A_217 : memref<1x1x128xf32, #tpu.memory_space<vmem_shared>> -> memref<128xf32, #tpu.memory_space<vmem_shared>>
      %dma_wait3A_219 = arith.constant 0 : i32
      %dma_wait3A_220 = tpu.memref_slice %arg8[%run_scoped3A_131, %dma_wait3A_219] : memref<16x128xf32, #tpu.memory_space<vmem>> -> memref<1x128xf32, #tpu.memory_space<vmem>>
      %dma_wait3A_221 = tpu.memref_squeeze %dma_wait3A_220 : memref<1x128xf32, #tpu.memory_space<vmem>> -> memref<128xf32, #tpu.memory_space<vmem>>
      tpu.wait_dma2 semaphore(%run_scoped3A_199 : memref<!tpu.dma_semaphore, #tpu.memory_space<semaphore_mem>>) src(%dma_wait3A_221 : memref<128xf32, #tpu.memory_space<vmem>>) dst(%dma_wait3A_218 : memref<128xf32, #tpu.memory_space<vmem_shared>>)
      tpu.yield
    }) : () -> ()
    %barrier3A = arith.constant 0 : index
    tpu.barrier barrier_id(%barrier3A)
    %barrier3A_133 = arith.constant 0 : index
    tpu.barrier barrier_id(%barrier3A_133)
    "tpu.region"() ({
      %run_scoped3A_199 = tpu.sem_alloc : memref<!tpu.dma_semaphore, #tpu.memory_space<semaphore_mem>>
      %dma_start3A = arith.constant 0 : i32
      %dma_start3A_200 = arith.constant 0 : i32
      %dma_start3A_201 = tpu.memref_slice %arg10[%arg1, %dma_start3A, %dma_start3A_200] : memref<16x16x128xf32, #tpu.memory_space<vmem_shared>> -> memref<1x16x128xf32, #tpu.memory_space<vmem_shared>>
      %dma_start3A_202 = tpu.memref_squeeze %dma_start3A_201 : memref<1x16x128xf32, #tpu.memory_space<vmem_shared>> -> memref<16x128xf32, #tpu.memory_space<vmem_shared>>
      %dma_start3A_203 = arith.constant 0 : i32
      %dma_start3A_204 = arith.constant 0 : i32
      %dma_start3A_205 = tpu.memref_slice %arg10[%arg1, %dma_start3A_203, %dma_start3A_204] : memref<16x16x128xf32, #tpu.memory_space<vmem_shared>> -> memref<1x16x128xf32, #tpu.memory_space<vmem_shared>>
      %dma_start3A_206 = tpu.memref_squeeze %dma_start3A_205 : memref<1x16x128xf32, #tpu.memory_space<vmem_shared>> -> memref<16x128xf32, #tpu.memory_space<vmem_shared>>
      tpu.enqueue_dma source(%dma_start3A_206 : memref<16x128xf32, #tpu.memory_space<vmem_shared>>) target(%arg9 : memref<16x128xf32, #tpu.memory_space<vmem>>) target_semaphore(%run_scoped3A_199 : memref<!tpu.dma_semaphore, #tpu.memory_space<semaphore_mem>>)
      %dma_wait3A = arith.constant 0 : i32
      %dma_wait3A_207 = arith.constant 0 : i32
      %dma_wait3A_208 = tpu.memref_slice %arg10[%arg1, %dma_wait3A, %dma_wait3A_207] : memref<16x16x128xf32, #tpu.memory_space<vmem_shared>> -> memref<1x16x128xf32, #tpu.memory_space<vmem_shared>>
      %dma_wait3A_209 = tpu.memref_squeeze %dma_wait3A_208 : memref<1x16x128xf32, #tpu.memory_space<vmem_shared>> -> memref<16x128xf32, #tpu.memory_space<vmem_shared>>
      %dma_wait3A_210 = arith.constant 0 : i32
      %dma_wait3A_211 = arith.constant 0 : i32
      %dma_wait3A_212 = tpu.memref_slice %arg10[%arg1, %dma_wait3A_210, %dma_wait3A_211] : memref<16x16x128xf32, #tpu.memory_space<vmem_shared>> -> memref<1x16x128xf32, #tpu.memory_space<vmem_shared>>
      %dma_wait3A_213 = tpu.memref_squeeze %dma_wait3A_212 : memref<1x16x128xf32, #tpu.memory_space<vmem_shared>> -> memref<16x128xf32, #tpu.memory_space<vmem_shared>>
      tpu.wait_dma2 semaphore(%run_scoped3A_199 : memref<!tpu.dma_semaphore, #tpu.memory_space<semaphore_mem>>) src(%dma_wait3A_213 : memref<16x128xf32, #tpu.memory_space<vmem_shared>>) dst(%arg9 : memref<16x128xf32, #tpu.memory_space<vmem>>)
      tpu.yield
    }) : () -> ()
    %scan3A_134 = arith.constant 0 : i32
    %scan3A_135 = arith.constant 16 : i32
    %scan3A_136 = arith.addi %scan3A_134, %scan3A_135 : i32
    %scan3A_137 = arith.constant 1 : i32
    %scan3A_138:8 = scf.for %scan3A_199 = %scan3A_134 to %scan3A_136 step %scan3A_137 iter_args(%scan3A_200 = %broadcast_in_dim3A_11, %scan3A_201 = %broadcast_in_dim3A_11, %scan3A_202 = %broadcast_in_dim3A_11, %scan3A_203 = %broadcast_in_dim3A_11, %scan3A_204 = %broadcast_in_dim3A_11, %scan3A_205 = %broadcast_in_dim3A_11, %scan3A_206 = %broadcast_in_dim3A_11, %scan3A_207 = %broadcast_in_dim3A_11) -> (vector<16xf32>, vector<16xf32>, vector<16xf32>, vector<16xf32>, vector<16xf32>, vector<16xf32>, vector<16xf32>, vector<16xf32>)  : i32 {
      %get3A_208 = arith.index_cast %scan3A_199 : i32 to index
      %get3A_209 = arith.constant 0 : index
      %get3A_210 = tpu.vector_load %arg9[%get3A_208, %get3A_209] {strides = array<i32>} : memref<16x128xf32, #tpu.memory_space<vmem>>, vector<16xf32>,
      %add3A_211 = arith.addf %scan3A_200, %get3A_210 : vector<16xf32>
      %get3A_212 = arith.index_cast %scan3A_199 : i32 to index
      %get3A_213 = arith.constant 16 : index
      %get3A_214 = tpu.vector_load %arg9[%get3A_212, %get3A_213] {strides = array<i32>} : memref<16x128xf32, #tpu.memory_space<vmem>>, vector<16xf32>,
      %add3A_215 = arith.addf %scan3A_201, %get3A_214 : vector<16xf32>
      %get3A_216 = arith.index_cast %scan3A_199 : i32 to index
      %get3A_217 = arith.constant 32 : index
      %get3A_218 = tpu.vector_load %arg9[%get3A_216, %get3A_217] {strides = array<i32>} : memref<16x128xf32, #tpu.memory_space<vmem>>, vector<16xf32>,
      %add3A_219 = arith.addf %scan3A_202, %get3A_218 : vector<16xf32>
      %get3A_220 = arith.index_cast %scan3A_199 : i32 to index
      %get3A_221 = arith.constant 48 : index
      %get3A_222 = tpu.vector_load %arg9[%get3A_220, %get3A_221] {strides = array<i32>} : memref<16x128xf32, #tpu.memory_space<vmem>>, vector<16xf32>,
      %add3A_223 = arith.addf %scan3A_203, %get3A_222 : vector<16xf32>
      %get3A_224 = arith.index_cast %scan3A_199 : i32 to index
      %get3A_225 = arith.constant 64 : index
      %get3A_226 = tpu.vector_load %arg9[%get3A_224, %get3A_225] {strides = array<i32>} : memref<16x128xf32, #tpu.memory_space<vmem>>, vector<16xf32>,
      %add3A_227 = arith.addf %scan3A_204, %get3A_226 : vector<16xf32>
      %get3A_228 = arith.index_cast %scan3A_199 : i32 to index
      %get3A_229 = arith.constant 80 : index
      %get3A_230 = tpu.vector_load %arg9[%get3A_228, %get3A_229] {strides = array<i32>} : memref<16x128xf32, #tpu.memory_space<vmem>>, vector<16xf32>,
      %add3A_231 = arith.addf %scan3A_205, %get3A_230 : vector<16xf32>
      %get3A_232 = arith.index_cast %scan3A_199 : i32 to index
      %get3A_233 = arith.constant 96 : index
      %get3A_234 = tpu.vector_load %arg9[%get3A_232, %get3A_233] {strides = array<i32>} : memref<16x128xf32, #tpu.memory_space<vmem>>, vector<16xf32>,
      %add3A_235 = arith.addf %scan3A_206, %get3A_234 : vector<16xf32>
      %get3A_236 = arith.index_cast %scan3A_199 : i32 to index
      %get3A_237 = arith.constant 112 : index
      %get3A_238 = tpu.vector_load %arg9[%get3A_236, %get3A_237] {strides = array<i32>} : memref<16x128xf32, #tpu.memory_space<vmem>>, vector<16xf32>,
      %add3A_239 = arith.addf %scan3A_207, %get3A_238 : vector<16xf32>
      scf.yield %add3A_211, %add3A_215, %add3A_219, %add3A_223, %add3A_227, %add3A_231, %add3A_235, %add3A_239 : vector<16xf32>, vector<16xf32>, vector<16xf32>, vector<16xf32>, vector<16xf32>, vector<16xf32>, vector<16xf32>, vector<16xf32>
    }
    %scan3A_139 = arith.constant 16 : i32
    %eq3A = vector.broadcast %arg1 : i32 to vector<16xi32>
    %eq3A_140 = arith.cmpi eq, %iota3A, %eq3A : vector<16xi32>
    %max3A = arith.constant 1 : i32
    %max3A_141 = vector.broadcast %max3A : i32 to vector<16xi32>
    %max3A_142 = arith.maxsi %get3A_1, %max3A_141 : vector<16xi32>
    %jit3A_143 = arith.constant 0 : i32
    %broadcast_in_dim3A_144 = vector.broadcast %jit3A_143 : i32 to vector<16xi32>
    %select_n3A_145 = arith.select %eq3A_140, %max3A_142, %broadcast_in_dim3A_144 : vector<16xi1>, vector<16xi32>
    %reduce_max3A_146 = arith.constant true
    %reduce_max3A_147 = vector.broadcast %reduce_max3A_146 : i1 to vector<16xi1>
    %reduce_max3A_148 = arith.constant -2147483648 : i32
    %reduce_max3A_149 = vector.broadcast %reduce_max3A_148 : i32 to vector<16xi32>
    %reduce_max3A_150 = arith.xori %select_n3A_145, %reduce_max3A_149 : vector<16xi32>
    %reduce_max3A_151 = tpu.scan <max>, %reduce_max3A_150 masked %reduce_max3A_147 : vector<16xi32>, vector<16xi1> -> vector<16xi32>
    %reduce_max3A_152 = arith.xori %reduce_max3A_151, %reduce_max3A_149 : vector<16xi32>
    %reduce_max3A_153 = vector.extract %reduce_max3A_152[15] : i32 from vector<16xi32>
    %broadcast_in_dim3A_154 = vector.broadcast %reduce_max3A_153 : i32 to vector<16xi32>
    %convert_element_type3A_155 = arith.sitofp %broadcast_in_dim3A_154 : vector<16xi32> to vector<16xf32>
    %broadcast_in_dim3A_156 = arith.constant 1.000000e+00 : f32
    %broadcast_in_dim3A_157 = vector.broadcast %broadcast_in_dim3A_156 : f32 to vector<16xf32>
    %div3A_158 = arith.divf %broadcast_in_dim3A_157, %convert_element_type3A_155 : vector<16xf32>
    %mul3A_159 = arith.mulf %scan3A_138#0, %div3A_158 : vector<16xf32>
    %swap3A = arith.constant 0 : i32
    %swap3A_160 = arith.index_cast %swap3A : i32 to index
    %swap3A_161 = arith.constant 0 : index
    %swap3A_162 = tpu.vector_load %arg9[%swap3A_160, %swap3A_161] {strides = array<i32>} : memref<16x128xf32, #tpu.memory_space<vmem>>, vector<16xf32>,
    tpu.vector_store %arg9[%swap3A_160, %swap3A_161], %mul3A_159 {strides = array<i32>} : memref<16x128xf32, #tpu.memory_space<vmem>>, vector<16xf32>,
    %mul3A_163 = arith.mulf %scan3A_138#1, %div3A_158 : vector<16xf32>
    %swap3A_164 = arith.constant 0 : i32
    %swap3A_165 = arith.index_cast %swap3A_164 : i32 to index
    %swap3A_166 = arith.constant 16 : index
    %swap3A_167 = tpu.vector_load %arg9[%swap3A_165, %swap3A_166] {strides = array<i32>} : memref<16x128xf32, #tpu.memory_space<vmem>>, vector<16xf32>,
    tpu.vector_store %arg9[%swap3A_165, %swap3A_166], %mul3A_163 {strides = array<i32>} : memref<16x128xf32, #tpu.memory_space<vmem>>, vector<16xf32>,
    %mul3A_168 = arith.mulf %scan3A_138#2, %div3A_158 : vector<16xf32>
    %swap3A_169 = arith.constant 0 : i32
    %swap3A_170 = arith.index_cast %swap3A_169 : i32 to index
    %swap3A_171 = arith.constant 32 : index
    %swap3A_172 = tpu.vector_load %arg9[%swap3A_170, %swap3A_171] {strides = array<i32>} : memref<16x128xf32, #tpu.memory_space<vmem>>, vector<16xf32>,
    tpu.vector_store %arg9[%swap3A_170, %swap3A_171], %mul3A_168 {strides = array<i32>} : memref<16x128xf32, #tpu.memory_space<vmem>>, vector<16xf32>,
    %mul3A_173 = arith.mulf %scan3A_138#3, %div3A_158 : vector<16xf32>
    %swap3A_174 = arith.constant 0 : i32
    %swap3A_175 = arith.index_cast %swap3A_174 : i32 to index
    %swap3A_176 = arith.constant 48 : index
    %swap3A_177 = tpu.vector_load %arg9[%swap3A_175, %swap3A_176] {strides = array<i32>} : memref<16x128xf32, #tpu.memory_space<vmem>>, vector<16xf32>,
    tpu.vector_store %arg9[%swap3A_175, %swap3A_176], %mul3A_173 {strides = array<i32>} : memref<16x128xf32, #tpu.memory_space<vmem>>, vector<16xf32>,
    %mul3A_178 = arith.mulf %scan3A_138#4, %div3A_158 : vector<16xf32>
    %swap3A_179 = arith.constant 0 : i32
    %swap3A_180 = arith.index_cast %swap3A_179 : i32 to index
    %swap3A_181 = arith.constant 64 : index
    %swap3A_182 = tpu.vector_load %arg9[%swap3A_180, %swap3A_181] {strides = array<i32>} : memref<16x128xf32, #tpu.memory_space<vmem>>, vector<16xf32>,
    tpu.vector_store %arg9[%swap3A_180, %swap3A_181], %mul3A_178 {strides = array<i32>} : memref<16x128xf32, #tpu.memory_space<vmem>>, vector<16xf32>,
    %mul3A_183 = arith.mulf %scan3A_138#5, %div3A_158 : vector<16xf32>
    %swap3A_184 = arith.constant 0 : i32
    %swap3A_185 = arith.index_cast %swap3A_184 : i32 to index
    %swap3A_186 = arith.constant 80 : index
    %swap3A_187 = tpu.vector_load %arg9[%swap3A_185, %swap3A_186] {strides = array<i32>} : memref<16x128xf32, #tpu.memory_space<vmem>>, vector<16xf32>,
    tpu.vector_store %arg9[%swap3A_185, %swap3A_186], %mul3A_183 {strides = array<i32>} : memref<16x128xf32, #tpu.memory_space<vmem>>, vector<16xf32>,
    %mul3A_188 = arith.mulf %scan3A_138#6, %div3A_158 : vector<16xf32>
    %swap3A_189 = arith.constant 0 : i32
    %swap3A_190 = arith.index_cast %swap3A_189 : i32 to index
    %swap3A_191 = arith.constant 96 : index
    %swap3A_192 = tpu.vector_load %arg9[%swap3A_190, %swap3A_191] {strides = array<i32>} : memref<16x128xf32, #tpu.memory_space<vmem>>, vector<16xf32>,
    tpu.vector_store %arg9[%swap3A_190, %swap3A_191], %mul3A_188 {strides = array<i32>} : memref<16x128xf32, #tpu.memory_space<vmem>>, vector<16xf32>,
    %mul3A_193 = arith.mulf %scan3A_138#7, %div3A_158 : vector<16xf32>
    %swap3A_194 = arith.constant 0 : i32
    %swap3A_195 = arith.index_cast %swap3A_194 : i32 to index
    %swap3A_196 = arith.constant 112 : index
    %swap3A_197 = tpu.vector_load %arg9[%swap3A_195, %swap3A_196] {strides = array<i32>} : memref<16x128xf32, #tpu.memory_space<vmem>>, vector<16xf32>,
    tpu.vector_store %arg9[%swap3A_195, %swap3A_196], %mul3A_193 {strides = array<i32>} : memref<16x128xf32, #tpu.memory_space<vmem>>, vector<16xf32>,
    %run_scoped3A_198 = arith.constant 0 : i32
    "tpu.region"() ({
      %run_scoped3A_199 = tpu.sem_alloc : memref<!tpu.dma_semaphore, #tpu.memory_space<semaphore_mem>>
      %dma_start3A = arith.constant 0 : i32
      %dma_start3A_200 = tpu.memref_slice %arg9[%run_scoped3A_198, %dma_start3A] : memref<16x128xf32, #tpu.memory_space<vmem>> -> memref<1x128xf32, #tpu.memory_space<vmem>>
      %dma_start3A_201 = tpu.memref_squeeze %dma_start3A_200 : memref<1x128xf32, #tpu.memory_space<vmem>> -> memref<128xf32, #tpu.memory_space<vmem>>
      %dma_start3A_202 = tpu.memref_slice %arg4[%arg1, %mul3A_0] : memref<16x256xf32, #tpu.memory_space<hbm>> -> memref<1x128xf32, #tpu.memory_space<hbm>>
      %dma_start3A_203 = tpu.memref_squeeze %dma_start3A_202 : memref<1x128xf32, #tpu.memory_space<hbm>> -> memref<128xf32, #tpu.memory_space<hbm>>
      %dma_start3A_204 = tpu.memref_slice %arg4[%arg1, %mul3A_0] : memref<16x256xf32, #tpu.memory_space<hbm>> -> memref<1x128xf32, #tpu.memory_space<hbm>>
      %dma_start3A_205 = tpu.memref_squeeze %dma_start3A_204 : memref<1x128xf32, #tpu.memory_space<hbm>> -> memref<128xf32, #tpu.memory_space<hbm>>
      %dma_start3A_206 = arith.constant 0 : i32
      %dma_start3A_207 = tpu.memref_slice %arg9[%run_scoped3A_198, %dma_start3A_206] : memref<16x128xf32, #tpu.memory_space<vmem>> -> memref<1x128xf32, #tpu.memory_space<vmem>>
      %dma_start3A_208 = tpu.memref_squeeze %dma_start3A_207 : memref<1x128xf32, #tpu.memory_space<vmem>> -> memref<128xf32, #tpu.memory_space<vmem>>
      tpu.enqueue_dma source(%dma_start3A_208 : memref<128xf32, #tpu.memory_space<vmem>>) target(%dma_start3A_205 : memref<128xf32, #tpu.memory_space<hbm>>) target_semaphore(%run_scoped3A_199 : memref<!tpu.dma_semaphore, #tpu.memory_space<semaphore_mem>>)
      %dma_wait3A = arith.constant 0 : i32
      %dma_wait3A_209 = tpu.memref_slice %arg9[%run_scoped3A_198, %dma_wait3A] : memref<16x128xf32, #tpu.memory_space<vmem>> -> memref<1x128xf32, #tpu.memory_space<vmem>>
      %dma_wait3A_210 = tpu.memref_squeeze %dma_wait3A_209 : memref<1x128xf32, #tpu.memory_space<vmem>> -> memref<128xf32, #tpu.memory_space<vmem>>
      %dma_wait3A_211 = tpu.memref_slice %arg4[%arg1, %mul3A_0] : memref<16x256xf32, #tpu.memory_space<hbm>> -> memref<1x128xf32, #tpu.memory_space<hbm>>
      %dma_wait3A_212 = tpu.memref_squeeze %dma_wait3A_211 : memref<1x128xf32, #tpu.memory_space<hbm>> -> memref<128xf32, #tpu.memory_space<hbm>>
      %dma_wait3A_213 = tpu.memref_slice %arg4[%arg1, %mul3A_0] : memref<16x256xf32, #tpu.memory_space<hbm>> -> memref<1x128xf32, #tpu.memory_space<hbm>>
      %dma_wait3A_214 = tpu.memref_squeeze %dma_wait3A_213 : memref<1x128xf32, #tpu.memory_space<hbm>> -> memref<128xf32, #tpu.memory_space<hbm>>
      %dma_wait3A_215 = arith.constant 0 : i32
      %dma_wait3A_216 = tpu.memref_slice %arg9[%run_scoped3A_198, %dma_wait3A_215] : memref<16x128xf32, #tpu.memory_space<vmem>> -> memref<1x128xf32, #tpu.memory_space<vmem>>
      %dma_wait3A_217 = tpu.memref_squeeze %dma_wait3A_216 : memref<1x128xf32, #tpu.memory_space<vmem>> -> memref<128xf32, #tpu.memory_space<vmem>>
      tpu.wait_dma2 semaphore(%run_scoped3A_199 : memref<!tpu.dma_semaphore, #tpu.memory_space<semaphore_mem>>) src(%dma_wait3A_217 : memref<128xf32, #tpu.memory_space<vmem>>) dst(%dma_wait3A_214 : memref<128xf32, #tpu.memory_space<hbm>>)
      tpu.yield
    }) : () -> ()
    return
  }
}

</mosaic_0001>

<sc_bundles>
// kernel: kernel.3.cloned.1.call-start
scs
__scs_entry_jumppad:
0x0: {  	(pc) =	sbr.rel $0x88, $3  }
0x1: {  	(tag) =	ssettag $0x0;
	lr =	simm.s32 $0x1  }
0x2: {  	[smem:$0x3F9F] =	sst lr;
	_ =	strace $0xD0000000  }
0x3: {  	_ = 	snop  }
0x4: {  	_ = 	snop  }
0x5: {  	_ = 	snop  }
0x6: {  	_ = 	snop  }
0x7: {  	_ = 	snop  }
__scs_overlays_trampoline_lowered:
0x8: {  	[smem:$0x3FAE] =	sst s0  }
0x9: {  	[smem:$0x3FAF] =	sst s1  }
0xa: {  	[smem:$0x3FB0] =	sst s2  }
0xb: {  	[smem:$0x3FB1] =	sst s3  }
0xc: {  	[smem:$0x3FB2] =	sst s4  }
0xd: {  	[smem:$0x3FB3] =	sst s5  }
0xe: {  	[smem:$0x3FB4] =	sst s6  }
0xf: {  	[smem:$0x3FB5] =	sst s7  }
0x10: {  	[smem:$0x3FB6] =	sst s8  }
0x11: {  	[smem:$0x3FB7] =	sst s9;
	s0 =	simm.s32 @!p0 $0x0  }
0x12: {  	s1 =	sld [smem:$0x3F9D];
	s0 =	simm.s32 @p0 $0x1  }
0x13: {  	[smem:$0x3FB8] =	sst s0;
	s0 =	simm.s32 @!p1 $0x0  }
0x14: {  	s2 =	sld [smem:$0x3F9C];
	s0 =	simm.s32 @p1 $0x1  }
0x15: {  	[smem:$0x3FB9] =	sst s0;
	s0 =	simm.s32 @!p2 $0x0  }
0x16: {  	s3 =	sld [smem:$0x3FDB];
	s0 =	simm.s32 @p2 $0x1  }
0x17: {  	s4 =	simm.s32 $0x1BF5;
	[smem:$0x3FBB] =	sst s0  }
0x18: {  	s0 =	sld [smem:$0x3F9E];
	_ =	swait.ge [sflag:s4], $0x0  }
0x19: {  	s7 =	sld [smem:$0x3F9F]  }
0x1a: {  	s8 =	sadd.s32 $0xFFFFE003, lr  }
0x1b: {  	s9 =	sadd.s32 $0xFFFFFEF7, lr;
	s5 =	simm.s32 $0xFFFFFFFF;
	p2 =	slt.u32 s8, $0xFFFFF086  }
0x1c: {  	p1 =	slt.u32 s9, $0xF7A;
	s5 =	simm.s32 @!p2 $0x0  }
0x1d: {  	s5 =	simm.s32 @p1 $0x1;
	p0 =	seq.s32 s7, s2  }
0x1e: {  	s7 =	smul.u32 @!p0 $0xF7A, s2;
	p2 =	seq.s32 @!p0 s5, $0x0  }
0x1f: {  	s9 =	smul.u32 $0xF7A, s1;
	s8 =	simm.s32 @!p0 $0x1BF5;
	p2 =	por !p2, p0  }
0x20: {  	[sflag:s8] =	ssyncset.s32 @!p0 $0xFFFFF086;
	s6 =	sadd.s32 @!p0 s3, s7;
	s7 =	simm.s32 @!p0 $0x108  }
0x21: {  	s3 =	sadd.s32 s3, s9;
	s6 =	sadd.s32 @!p0 $0x88, s6;
	s7 =	simm.s32 @p2 $0x1082  }
0x22: {  	[simem:s7], [sflag:s8] =	dma.local @!p0 [hbm:s6], $0xF7A  }
0x23: {  	s9 =	sor.u32 $0xD0000000, s2;
	s6 =	simm.s32 $0x108;
	_ =	swait.ge @!p0 [sflag:s8], $0x0  }
0x24: {  	s3 =	sadd.s32 $0x88, s3;
	s6 =	simm.s32 @!p1 $0x1082;
	[sflag:s4] =	ssyncset.s32 $0xFFFFF086  }
0x25: {  	[simem:s6], [sflag:s4] =	dma.local [hbm:s3], $0xF7A  }
0x26: {  	[smem:$0x3F9F] =	sst s1;
	(tag) =	ssettag s2;
	_ =	strace s9  }
0x27: {  	s1 =	sld [smem:$0x3FAF]  }
0x28: {  	s2 =	sld [smem:$0x3FB0]  }
0x29: {  	s4 =	sld [smem:$0x3FB2]  }
0x2a: {  	p0 =	seq.s32 s5, $0x0;
	s5 =	sld [smem:$0x3FB3]  }
0x2b: {  	s6 =	sld [smem:$0x3FB4]  }
0x2c: {  	s7 =	sld [smem:$0x3FB5]  }
0x2d: {  	s3 =	simm.s32 $0x108;
	s8 =	sld [smem:$0x3FB6]  }
0x2e: {  	s3 =	simm.s32 @!p0 $0x1082;
	s9 =	sld [smem:$0x3FB7]  }
0x2f: {  	lr =	sadd.s32 s0, s3;
	s0 =	sld [smem:$0x3FAE]  }
0x30: {  	s3 =	sld [smem:$0x3FB1]  }
0x31: {  	[smem:$0x3FBA] =	sst s10  }
0x32: {  	s10 =	sld [smem:$0x3FB8];
	_ =	sdelay $0x3  }
0x33: {  	p0 =	seq.s32 s10, $0x1;
	s10 =	sld [smem:$0x3FBA];
	_ =	sdelay $0x3  }
0x34: {  	[smem:$0x3FBA] =	sst s10  }
0x35: {  	s10 =	sld [smem:$0x3FB9];
	_ =	sdelay $0x3  }
0x36: {  	p1 =	seq.s32 s10, $0x1;
	s10 =	sld [smem:$0x3FBA];
	_ =	sdelay $0x3  }
0x37: {  	[smem:$0x3FBA] =	sst s10  }
0x38: {  	s10 =	sld [smem:$0x3FBB]  }
0x39: {  	_ = 	snop;
	(pc) =	sbr.ind lr, $3  }
0x3a: {  	_ = 	snop  }
0x3b: {  	_ = 	snop  }
0x3c: {  	p2 =	seq.s32 s10, $0x1;
	s10 =	sld [smem:$0x3FBA]  }
0x3d: {  	_ =	shalt  }
0x3e: {  	_ =	shalt  }
0x3f: {  	_ =	shalt  }
0x40: {  	_ =	shalt  }
0x41: {  	_ =	shalt  }
0x42: {  	_ =	shalt  }
0x43: {  	_ =	shalt  }
0x44: {  	_ =	shalt  }
0x45: {  	_ =	shalt  }
0x46: {  	_ =	shalt  }
0x47: {  	_ =	shalt  }
0x48: {  	_ =	shalt  }
0x49: {  	_ =	shalt  }
0x4a: {  	_ =	shalt  }
0x4b: {  	_ =	shalt  }
0x4c: {  	_ =	shalt  }
0x4d: {  	_ =	shalt  }
0x4e: {  	_ =	shalt  }
0x4f: {  	_ =	shalt  }
0x50: {  	_ =	shalt  }
0x51: {  	_ =	shalt  }
0x52: {  	_ =	shalt  }
0x53: {  	_ =	shalt  }
0x54: {  	_ =	shalt  }
0x55: {  	_ =	shalt  }
0x56: {  	_ =	shalt  }
0x57: {  	_ =	shalt  }
0x58: {  	_ =	shalt  }
0x59: {  	_ =	shalt  }
0x5a: {  	_ =	shalt  }
0x5b: {  	_ =	shalt  }
0x5c: {  	_ =	shalt  }
0x5d: {  	_ =	shalt  }
0x5e: {  	_ =	shalt  }
0x5f: {  	_ =	shalt  }
0x60: {  	_ =	shalt  }
0x61: {  	_ =	shalt  }
0x62: {  	_ =	shalt  }
0x63: {  	_ =	shalt  }
0x64: {  	_ =	shalt  }
0x65: {  	_ =	shalt  }
0x66: {  	_ =	shalt  }
0x67: {  	_ =	shalt  }
0x68: {  	_ =	shalt  }
0x69: {  	_ =	shalt  }
0x6a: {  	_ =	shalt  }
0x6b: {  	_ =	shalt  }
0x6c: {  	_ =	shalt  }
0x6d: {  	_ =	shalt  }
0x6e: {  	_ =	shalt  }
0x6f: {  	_ =	shalt  }
0x70: {  	_ =	shalt  }
0x71: {  	_ =	shalt  }
0x72: {  	_ =	shalt  }
0x73: {  	_ =	shalt  }
0x74: {  	_ =	shalt  }
0x75: {  	_ =	shalt  }
0x76: {  	_ =	shalt  }
0x77: {  	_ =	shalt  }
0x78: {  	_ =	shalt  }
0x79: {  	_ =	shalt  }
0x7a: {  	_ =	shalt  }
0x7b: {  	_ =	shalt  }
0x7c: {  	_ =	shalt  }
0x7d: {  	_ =	shalt  }
0x7e: {  	_ =	shalt  }
0x7f: {  	_ =	shalt  }
0x80: {  	_ =	shalt  }
0x81: {  	_ =	shalt  }
0x82: {  	_ =	shalt  }
0x83: {  	_ =	shalt  }
0x84: {  	_ =	shalt  }
0x85: {  	_ =	shalt  }
0x86: {  	_ =	shalt  }
0x87: {  	_ =	shalt  }
.Lfunc_end0:
.L_simem_size_0:
called_computation_lowered:
.L_overlay_start_0:
0x88: {  	s2 =	sld [smem:$0x3FD9]  }
0x89: {  	s3 =	sld [smem:$0x3FFE];
	_ =	sdelay $0x1  }
0x8a: {  	s1 =	srdreg.scid  }
0x8b: {  	s0 =	sand.u32 $0x1, s1  }
0x8c: {  	s18 =	sshll.u32 s0, $0xA;
	s2 =	sadd.s32 s3, s2  }
0x8d: {  	s2 =	sadd.s32 s2, s18  }
0x8e: {  	[smem:$0x3FC6] =	sst s2  }
0x8f: {  	_ = 	snop  }
0x90: {  	s2 =	sld [smem:$0x3FC9]  }
0x91: {  	s19 =	sld [smem:$0x3FC8]  }
0x92: {  	s4 =	sld [smem:$0x3FD0];
	(tm) =	ssettm $0x1  }
0x93: {  	s5 =	sld [smem:$0x3FFB];
	_ =	sdelay $0x3  }
0x94: {  	_ =	strace s5  }
0x95: {  	s5 =	sld [smem:$0x3FFC];
	_ =	sdelay $0x3  }
0x96: {  	_ =	strace s5  }
0x97: {  	s5 =	sld [smem:$0x3FFD];
	_ =	sdelay $0x3  }
0x98: {  	_ =	strace s5  }
0x99: {  	_ =	strace $0x8FFFFFFF  }
0x9a: {  	s20 =	sld [smem:$0x3FDB];
	_ =	sdelay $0x1  }
0x9b: {  	s6 =	simm.s32 $_scs_section_size  }
0x9c: {  	s7 =	simm.s32 $_size__tile_overlayer_lowered;
	s8 =	simm.s32 $_tile_overlayer_lowered  }
0x9d: {  	s23 =	simm.s32 $0x1BFF;
	s22 =	sshll.u32 s8, $0x1;
	s5 =	sadd.s32 s6, s20  }
0x9e: {  	s9 =	simm.s32 $0x0;
	s21 =	sshll.u32 s7, $0x1;
	s7 =	sadd.s32 s22, s5  }
0x9f: {  	[timem:s9], [sflag:s23] =	dma.local [hbm:s7], s21  }
0xa0: {  	_ =	swait.ge [sflag:s23], s21  }
0xa1: {  	s6 =	ssub.s32 $0x0, s21;
	[sflag:s23] =	ssyncset.done $0x0  }
0xa2: {  	[sflag:s23] =	ssyncadd.s32 s6;
	_ =	sdelay $0x1  }
0xa3: {  	s24 =	simm.s32 $0x1B8B  }
0xa4: {  	_ =	swait.ge [sflag:s24], $0x1  }
0xa5: {  	[sflag:s24] =	ssyncset.done $0x0  }
0xa6: {  	s25 =	simm.s32 $0x1B8E;
	[sflag:s24] =	ssyncadd.s32 $0xFFFFFFFF  }
0xa7: {  	s26 =	simm.s32 $execute0_lowered;
	[smem:$0x3FD2] =	sst s25  }
0xa8: {  	s6 =	sshll.u32 s26, $0x1;
	_ =	strace $0x80000046;
	[dreg:$0x1] =	wrdreg $0xFFFFFFFF  }
0xa9: {  	s28 =	simm.s32 $_size_execute0_lowered;
	s5 =	sadd.s32 s5, s6;
	[dreg:$0x0] =	wrdreg $0x0  }
0xaa: {  	s6 =	sshll.u32 s28, $0x1;
	[dreg:$0x2] =	wrdreg s5  }
0xab: {  	[dreg:$0x3] =	wrdreg s6  }
0xac: {  	[dreg:$0x4] =	wrdreg $0xC0  }
0xad: {  	_ =	task [dreg:s9], $0x5FFFF  }
0xae: {  	[dreg:$0x1] =	wrdreg $0xFFFFFFFF  }
0xaf: {  	[dreg:$0x0] =	wrdreg $0x60  }
0xb0: {  	[dreg:$0x2] =	wrdreg s2  }
0xb1: {  	[dreg:$0x3] =	wrdreg s19  }
0xb2: {  	[dreg:$0x4] =	wrdreg s4  }
0xb3: {  	[dreg:$0x5] =	wrdreg $0x110800  }
0xb4: {  	[dreg:$0x6] =	wrdreg $0x9  }
0xb5: {  	_ =	task.clear_ibuf [dreg:s9], $0x7FFFF;
	_ =	strace $0x90000046  }
0xb6: {  	s29 =	simm.s32 $0x9;
	_ =	strace $0x80000048  }
0xb7: {  	_ =	swait.ge [sflag:s29], $0x1  }
0xb8: {  	[sflag:s29] =	ssyncadd.s32 $0xFFFFFFFF  }
0xb9: {  	_ =	strace $0x90000048  }
0xba: {  	_ =	sfence  }
0xbb: {  	s30 =	sld [smem:$0x0];
	_ =	sdelay $0x2  }
0xbc: {  	s31 =	sshll.u32 s1, $0xD;
	s1 =	sshrl.u32 s1, $0x2  }
0xbd: {  	s3 =	sand.u32 $0x4000, s31;
	s1 =	sadd.s32 s1, s30  }
0xbe: {  	s0 =	sor.u32 s3, s0;
	s1 =	sshll.u32 s1, $0x11  }
0xbf: {  	s0 =	sor.u32 s1, s0  }
0xc0: {  	s0 =	sadd.s32 $0x8F2B, s0  }
0xc1: {  	[sflag:s0] =	ssyncadd.remote.s32 $0x1  }
0xc2: {  	_ =	sfence.sel $0xFFFF  }
0xc3: {  	[dreg:$0x0] =	wrdreg $0xFFFFFFFF;
	(pc) =	sbr.abs _section_cstart, $3  }
0xc4: {  	[dreg:$0x1] =	wrdreg $0xFFFFFFFF  }
0xc5: {  	_ =	task.clear_ibuf [dreg:s9], $0x2FFFF;
	_ =	strace $0x9FFFFFFF  }
0xc6: {  	(tm) =	ssettm $0x7FFFFFFF  }
0xc7: {  	_ =	shalt  }
tec
execute0_lowered:
.L_overlay_start_1:
0x0: {  	(tag) =	ssettag $0x1  }
0x1: {  	s1 =	rddreg [dreg:$0x0]  }
0x2: {  	s0 =	rddreg [dreg:$0x2]  }
0x3: {  	s2 =	rddreg [dreg:$0x3];
	s11 =	simm.s32 $0x0;
	s3 =	srdreg.scid  }
0x4: {  	s12 =	stileid.u32;
	[smem:$0x7FF] =	sst s11;
	s3 =	sand.u32 $0x1, s3  }
0x5: {  	s9 =	sshll.u32 s12, $0xD;
	s15 =	sshll.u32 s12, $0x7;
	s7 =	sshll.u32 s12, $0x8  }
0x6: {  	_ =	strace $0x80000047;
	s4 =	ssub.s32 $0x2, s3;
	s28 =	ssub.s32 $0x0, s7  }
0x7: {  	s5 =	sshll.u32 s3, $0x7;
	s29 =	ssub.s32 $0xFFFFF000, s7;
	[dreg:$0x11] =	wrdreg s28  }
0x8: {  	s6 =	sshrl.u32 s4, $0x1;
	s5 =	sadd.s32 s1, s5;
	[dreg:$0x12] =	wrdreg s29  }
0x9: {  	s4 =	ssub.s32 s4, s6;
	s5 =	sadd.s32 s9, s5;
	s6 =	sadd.s32 s15, s2  }
0xa: {  	[dreg:$0x5] =	wrdreg s5;
	s10 =	sadd.s32 $0x800, s6  }
0xb: {  	s16 =	sadd.s32 $0x1000, s6;
	[dreg:$0x6] =	wrdreg s10  }
0xc: {  	s30 =	simm.s32 $0x3;
	s17 =	sadd.s32 $0x1800, s6;
	[dreg:$0x7] =	wrdreg s16  }
0xd: {  	s31 =	simm.s32 $0x1;
	s18 =	sadd.s32 $0x2000, s6;
	[dreg:$0x8] =	wrdreg s17  }
0xe: {  	s8 =	sshll.u32 s12, $0x10;
	s19 =	sadd.s32 $0x2800, s6;
	[dreg:$0x9] =	wrdreg s18  }
0xf: {  	s3 =	sshll.u32 s3, $0xA;
	s20 =	sadd.s32 $0x3000, s6;
	[dreg:$0xa] =	wrdreg s19  }
0x10: {  	s23 =	sand.u32 $0x800, s7;
	s21 =	sadd.s32 $0x3800, s6;
	[dreg:$0xb] =	wrdreg s20  }
0x11: {  	s8 =	sor.u32 s3, s8;
	s22 =	sadd.s32 $0x4000, s6;
	[dreg:$0xc] =	wrdreg s21  }
0x12: {  	s9 =	sshrl.u32 s9, $0x2;
	s13 =	sadd.s32 $0x4800, s6;
	[dreg:$0xd] =	wrdreg s22  }
0x13: {  	s5 =	sand.u32 $0x380, s15;
	s24 =	sadd.s32 $0x5000, s6;
	[dreg:$0xe] =	wrdreg s13  }
0x14: {  	s25 =	sadd.s32 $0x5800, s6;
	[dreg:$0xf] =	wrdreg s24;
	s5 =	sor.u32 s5, s23  }
0x15: {  	[dreg:$0x10] =	wrdreg s25;
	s20 =	sadd.s32 $0x6000, s6;
	s21 =	sadd.s32 s9, s2  }
0x16: {  	s22 =	sadd.s32 $0x6800, s6;
	s24 =	sadd.s32 $0x7000, s6;
	s3 =	sor.u32 s3, s5  }
0x17: {  	v0 =	vlaneseq.u32;
	v3 =	vmov s12;
	s25 =	smax.u32 s4, $0x1;
	s2 =	simm.s32 $0x0;
	s26 =	sshrl.u32 s3, $0x3  }
0x18: {  	v1 =	vimm.f32 $0.0e+00;
	v2 =	vimm.s32 $0x0;
	vm0 =	veq.s32 v3, v0;
	s23 =	sadd.s32 s0, s26;
	s26 =	sadd.s32 $0x7800, s6;
	s0 =	simm.s32 $0x10880  }
.LBB2_1:
0x19: {  	s3 =	rddreg [dreg:$0x1]  }
0x1a: {  	[tilespmem:s11], [sflag:$0x3] =	stream.linear.gather [hbm4b:s3+s11], $0x80, $0x38;
	[tilespmem:$0x11880] =	vst v63  }
0x1b: {  	_ =	swait.ge [sflag:s30], $0x80  }
0x1c: {  	[sflag:s30] =	ssyncset.done $0x0  }
0x1d: {  	[sflag:s30] =	ssyncadd.s32 $0xFFFFFF80  }
0x1e: {  	s4 =	simm.s32 $0x200;
	s3 =	simm.s32 $0x0;
	v3 =	vld [tilespmem:$0x0]  }
.LBB2_2:
0x1f: {  	p0 =	sne.s32 s4, $0x1E00;
	[tilespmem:s3+$0x100F0] =	vst v1  }
0x20: {  	[tilespmem:s3+$0x10080] =	vst v1  }
0x21: {  	[tilespmem:s3+$0x10090] =	vst v1  }
.Ltmp0:
0x22: {  	[tilespmem:s3+$0x100A0] =	vst v1;
	(pc) =	sbr.rel @p0 .LBB2_2-.Ltmp0, $4  }
0x23: {  	[tilespmem:s3+$0x100B0] =	vst v1  }
0x24: {  	[tilespmem:s3+$0x100C0] =	vst v1  }
0x25: {  	[tilespmem:s3+$0x100D0] =	vst v1  }
0x26: {  	[tilespmem:s3+$0x100E0] =	vst v1;
	s3 =	sshra.s32 s4, $0x2;
	s4 =	sadd.s32 $0x200, s4  }
0x27: {  	(xrf0) =	vadd.scan.msk.s32 $0xffff, v3;
	_ =	sdelay $0x5  }
0x28: {  	v4, _, _ =	vpop (xrf0)  }
0x29: {  	v5 =	vxor.u32 $0x80000000, v4  }
0x2a: {  	(xrf0) =	vmax.scan.msk.u32 $0xffff, v5;
	_ =	sdelay $0x5  }
0x2b: {  	v6, _, _ =	vpop (xrf0)  }
0x2c: {  	(v2sf) =	vpush v6, $0xF;
	_ =	sdelay $0xe  }
0x2d: {  	s5 =	spop (v2sf)  }
0x2e: {  	s4 =	sadd.s32 $0x800000FF, s5  }
0x2f: {  	s9 =	sshra.s32 s4, $0x1F;
	s10 =	sand.u32 $0xFF, s4  }
0x30: {  	p0 =	slt.s32 s4, $0x1;
	s9 =	sshrl.u32 s9, $0x18;
	p1 =	sne.s32 s10, $0x0  }
0x31: {  	s15 =	stileid.u32;
	s4 =	sadd.s32 s9, s4;
	p0 =	por !p0, !p1  }
0x32: {  	s9 =	simm.s32 $0x1;
	s4 =	sshra.s32 s4, $0x8;
	p0 =	por !p0, !p0  }
0x33: {  	s4 =	ssub.s32 s4, s15;
	s9 =	simm.s32 @!p0 $0x0  }
0x34: {  	s4 =	ssub.s32 s4, s9  }
0x35: {  	s9 =	sadd.s32 $0xF, s4  }
0x36: {  	[tilespmem:s3+$0x100F0] =	vst v1;
	s16 =	sand.u32 $0xF, s9  }
0x37: {  	[tilespmem:s3+$0x10080] =	vst v1;
	p3 =	slt.s32 s4, $0xFFFFFFF2;
	p4 =	sne.s32 s16, $0x0  }
0x38: {  	[tilespmem:s3+$0x10090] =	vst v1;
	s17 =	sshrl.u32 s9, $0x1C;
	p0 =	por !p3, !p4  }
0x39: {  	[tilespmem:s3+$0x100A0] =	vst v1;
	s4 =	sadd.s32 s17, s9;
	s9 =	simm.s32 $0x1;
	p0 =	por !p0, !p0  }
0x3a: {  	[tilespmem:s3+$0x100B0] =	vst v1;
	s4 =	sshra.s32 s4, $0x4;
	s9 =	simm.s32 @!p0 $0x0  }
0x3b: {  	[tilespmem:s3+$0x100C0] =	vst v1;
	s4 =	ssub.s32 s4, s9  }
0x3c: {  	[tilespmem:s3+$0x100D0] =	vst v1;
	p0 =	slt.s32 s4, $0x1  }
0x3d: {  	[tilespmem:s3+$0x100E0] =	vst v1;
	s11 =	rddreg [dreg:$0x5];
	s18 =	sadd.s32 $0x1, s4;
	s3 =	simm.s32 @!p0 $0x400  }
0x3e: {  	s9 =	simm.s32 @!p0 $0x800;
	s10 =	simm.s32 @!p0 $0x80;
	s19 =	sand.u32 $0x1, s18  }
0x3f: {  	[tilespmem:s10], [sflag:$0x1] =	stream.strided.gather @!p0 [hbm4b:s11+s3], $0x8000, s9, s3, $0x38;
	[tilespmem:$0x11880] =	vst v63  }
0x40: {  	p5 =	slt.s32 s4, $0x0;
	p6 =	seq.s32 s19, $0x1  }
0x41: {  	s29 =	sshrl.u32 s18, $0x1F;
	p0 =	por !p5, !p6  }
0x42: {  	s3 =	sadd.s32 s29, s18;
	s9 =	simm.s32 $0x1;
	p0 =	por !p0, !p0  }
0x43: {  	s3 =	sshra.s32 s3, $0x1;
	s9 =	simm.s32 @!p0 $0x0  }
0x44: {  	s28 =	ssub.s32 s3, s9  }
0x45: {  	p0 =	slt.s32 s28, $0x1  }
.Ltmp1:
0x46: {  	_ = 	snop;
	(pc) =	sbr.rel @p0 .LBB2_21-.Ltmp1, $1  }
0x47: {  	_ =	sdelay $0x3  }
.Ltmp2:
0x48: {  	(pc) =	sbr.rel .LBB2_5-.Ltmp2, $3  }
0x49: {  	_ =	sdelay $0x1  }
0x4a: {  	s15 =	sxor.u32 $0x80000000, s5;
	s5 =	rddreg [dreg:$0x12]  }
0x4b: {  	s3 =	simm.s32 $0x0;
	s9 =	rddreg [dreg:$0x11]  }
.LBB2_20:
0x4c: {  	s3 =	sadd.s32 $0x1, s3  }
0x4d: {  	p0 =	sne.s32 s3, s28  }
.Ltmp3:
0x4e: {  	_ = 	snop;
	(pc) =	sbr.rel @!p0 .LBB2_21-.Ltmp3, $2  }
0x4f: {  	_ =	sdelay $0x2  }
0x50: {  	s9 =	sadd.s32 $0xFFFFE000, s9;
	s5 =	sadd.s32 $0xFFFFE000, s5  }
.LBB2_5:
0x51: {  	s11 =	sshll.u32 s3, $0x1  }
0x52: {  	p0 =	slt.s32 s11, s4  }
.Ltmp4:
0x53: {  	_ = 	snop;
	(pc) =	sbr.rel @!p0 .LBB2_13-.Ltmp4, $2  }
0x54: {  	_ =	sdelay $0x2  }
0x55: {  	s10 =	sor.u32 $0x1, s11  }
0x56: {  	s10 =	sor.u32 $0x1, s11  }
0x57: {  	p0 =	sge.s32 s10, s4  }
0x58: {  	s12 =	sshll.u32 @!p0 s10, $0x14  }
0x59: {  	s12 =	sor.u32 @!p0 s8, s12  }
0x5a: {  	s13 =	sshll.u32 s3, $0xD;
	s14 =	simm.s32 @!p0 $0x400;
	s12 =	sshrl.u32 @!p0 s12, $0x3  }
0x5b: {  	s16 =	simm.s32 @!p0 $0x800;
	s17 =	simm.s32 @!p0 $0x8080;
	s12 =	sadd.s32 @!p0 s1, s12  }
0x5c: {  	[tilespmem:s17], [sflag:$0x2] =	stream.strided.gather @!p0 [hbm4b:s12+s14], $0x8000, s16, s14, $0x38;
	[tilespmem:$0x11880] =	vst v63  }
0x5d: {  	s12 =	sor.u32 s7, s13  }
0x5e: {  	p0 =	sle.s32 s15, s12  }
.Ltmp5:
0x5f: {  	_ = 	snop;
	(pc) =	sbr.rel @p0 .LBB2_13-.Ltmp5, $4  }
0x60: {  	_ = 	snop  }
0x61: {  	_ =	swait.ge [sflag:s31], $0x8000  }
0x62: {  	[sflag:s31] =	ssyncset.done $0x0  }
0x63: {  	[sflag:s31] =	ssyncadd.s32 $0xFFFF8000  }
0x64: {  	vm1 =	vle.s32 v4, s12  }
0x65: {  	v6 =	vsel vm1, $0x1, v2  }
0x66: {  	(xrf0) =	vadd.scan.msk.s32 $0xffff, v6;
	_ =	sdelay $0x5  }
0x67: {  	v6, _, _ =	vpop (xrf0)  }
0x68: {  	(v2sf) =	vpush v6, $0xF;
	_ =	sdelay $0xa  }
.Ltmp6:
0x69: {  	_ = 	snop;
	(pc) =	sbr.rel .LBB2_8-.Ltmp6, $4  }
0x6a: {  	_ = 	snop  }
0x6b: {  	s14 =	sadd.s32 $0x100, s12  }
0x6c: {  	s13 =	smov.u32 s15;
	p0 =	slt.s32 s14, s15  }
0x6d: {  	s17 =	smov.u32 s12;
	s13 =	smov.u32 @p0 s14;
	s14 =	spop (v2sf)  }
.LBB2_11:
0x6e: {  	v9 =	vadd.f32 v10, v9  }
0x6f: {  	v10 =	vadd.f32 v12, v11;
	v11 =	vadd.f32 v13, v14  }
0x70: {  	v12 =	vadd.f32 v17, v15;
	v13 =	vadd.f32 v18, v16  }
.LBB2_12:
0x71: {  	s16 =	sshll.u32 s14, $0x9  }
0x72: {  	s16 =	sshra.s32 s16, $0x2  }
0x73: {  	v14 =	vld [tilespmem:s16+$0x10080]  }
0x74: {  	v15 =	vld [tilespmem:s16+$0x10090]  }
0x75: {  	v16 =	vld [tilespmem:s16+$0x100A0]  }
0x76: {  	v18 =	vld [tilespmem:s16+$0x100C0]  }
0x77: {  	v60 =	vld [tilespmem:s16+$0x100E0]  }
0x78: {  	v17 =	vld [tilespmem:s16+$0x100B0];
	v13 =	vadd.f32 v14, v13  }
0x79: {  	v61 =	vld [tilespmem:s16+$0x100F0];
	v7 =	vadd.f32 v15, v7  }
0x7a: {  	v59 =	vld [tilespmem:s16+$0x100D0];
	v8 =	vadd.f32 v16, v8;
	[tilespmem:s16+$0x10080] =	vst v13  }
0x7b: {  	v62 =	vadd.f32 v18, v10;
	[tilespmem:s16+$0x10090] =	vst v7  }
0x7c: {  	v63 =	vadd.f32 v60, v12;
	[tilespmem:s16+$0x100A0] =	vst v8  }
.Ltmp7:
0x7d: {  	v7 =	vadd.f32 v17, v9;
	[tilespmem:s16+$0x100C0] =	vst v62;
	(pc) =	sbr.rel @!p0 .LBB2_13-.Ltmp7, $4  }
0x7e: {  	v6 =	vadd.f32 v61, v6;
	[tilespmem:s16+$0x100E0] =	vst v63  }
0x7f: {  	[tilespmem:s16+$0x100B0] =	vst v7;
	v7 =	vadd.f32 v59, v11  }
0x80: {  	[tilespmem:s16+$0x100F0] =	vst v6  }
0x81: {  	s14 =	sadd.s32 $0x1, s14;
	s17 =	smov.u32 s29;
	[tilespmem:s16+$0x100D0] =	vst v7  }
.LBB2_8:
0x82: {  	v6 =	vmov s14  }
0x83: {  	vm1 =	veq.s32 v6, v0  }
0x84: {  	v6 =	vnsel vm1, $0x80000000, v5  }
0x85: {  	(xrf0) =	vmax.scan.msk.u32 $0xffff, v6;
	_ =	sdelay $0x5  }
0x86: {  	v6, _, _ =	vpop (xrf0)  }
0x87: {  	(v2sf) =	vpush v6, $0xF;
	_ =	sdelay $0xe  }
0x88: {  	s16 =	spop (v2sf)  }
0x89: {  	s16 =	sxor.u32 $0x80000000, s16  }
0x8a: {  	s29 =	smov.u32 s13;
	p0 =	slt.s32 s16, s13  }
0x8b: {  	s29 =	smov.u32 @p0 s16  }
0x8c: {  	s18 =	ssub.s32 s17, s12;
	s16 =	ssub.s32 s29, s12  }
0x8d: {  	p1 =	sge.s32 s18, s16  }
.Ltmp8:
0x8e: {  	_ = 	snop;
	(pc) =	sbr.rel @p1 .LBB2_12-.Ltmp8, $4  }
0x8f: {  	_ = 	snop  }
0x90: {  	v13 =	vimm.f32 $0.0e+00;
	v7 =	vimm.f32 $0.0e+00  }
0x91: {  	v8 =	vimm.f32 $0.0e+00;
	v9 =	vimm.f32 $0.0e+00;
	v10 =	vimm.f32 $0.0e+00  }
0x92: {  	v11 =	vimm.f32 $0.0e+00;
	v12 =	vimm.f32 $0.0e+00;
	v6 =	vimm.f32 $0.0e+00  }
0x93: {  	s17 =	sadd.s32 s17, s9  }
0x94: {  	s17 =	sshll.u32 s17, $0x9  }
0x95: {  	s17 =	sshra.s32 s17, $0x2  }
0x96: {  	s19 =	sadd.s32 $0xC0, s17  }
0x97: {  	v6 =	vld [tilespmem:s19+$0x30]  }
0x98: {  	v7 =	vld [tilespmem:s19+$0xFFFFFFD0]  }
0x99: {  	v8 =	vld [tilespmem:s19+$0xFFFFFFE0]  }
0x9a: {  	s17 =	sadd.s32 $0x1, s18;
	v10 =	vld [tilespmem:s19+$0xFFFFFFF0]  }
0x9b: {  	v12 =	vld [tilespmem:s19+$0x0];
	p1 =	slt.s32 s17, s16  }
.Ltmp9:
0x9c: {  	v13 =	vld [tilespmem:s19+$0x10];
	(pc) =	sbr.rel @!p1 .LBB2_11-.Ltmp9, $4  }
0x9d: {  	v17 =	vld [tilespmem:s19+$0x20]  }
0x9e: {  	v9 =	vimm.f32 $0.0e+00;
	v11 =	vimm.f32 $0.0e+00;
	v18 =	vld [tilespmem:s19+$0xFFFFFFC0]  }
0x9f: {  	v14 =	vimm.f32 $0.0e+00;
	v15 =	vimm.f32 $0.0e+00;
	v6 =	vadd.f32 v6, v9  }
0xa0: {  	v16 =	vimm.f32 $0.0e+00;
	s18 =	sadd.s32 $0x80, s19;
	v7 =	vadd.f32 v7, v9;
	v8 =	vadd.f32 v8, v9  }
.LBB2_10:
0xa1: {  	v19 =	vld [tilespmem:s18+$0x30];
	s17 =	sadd.s32 $0x1, s17;
	v9 =	vadd.f32 v10, v9  }
0xa2: {  	v11 =	vadd.f32 v12, v11;
	v20 =	vld [tilespmem:s18+$0xFFFFFFD0];
	p1 =	slt.s32 s17, s16  }
0xa3: {  	v14 =	vadd.f32 v13, v14;
	v21 =	vld [tilespmem:s18+$0xFFFFFFE0]  }
.Ltmp10:
0xa4: {  	v15 =	vadd.f32 v17, v15;
	v10 =	vld [tilespmem:s18+$0xFFFFFFF0];
	(pc) =	sbr.rel @p1 .LBB2_10-.Ltmp10, $4  }
0xa5: {  	v16 =	vadd.f32 v18, v16;
	v12 =	vld [tilespmem:s18+$0x0]  }
0xa6: {  	v13 =	vld [tilespmem:s18+$0x10];
	v6 =	vadd.f32 v19, v6  }
0xa7: {  	v7 =	vadd.f32 v20, v7;
	v17 =	vld [tilespmem:s18+$0x20]  }
0xa8: {  	v18 =	vld [tilespmem:s18+$0xFFFFFFC0];
	v8 =	vadd.f32 v21, v8;
	s18 =	sadd.s32 $0x80, s18  }
.Ltmp11:
0xa9: {  	_ = 	snop;
	(pc) =	sbr.rel .LBB2_11-.Ltmp11, $1  }
0xaa: {  	_ =	sdelay $0x3  }
.LBB2_13:
0xab: {  	p0 =	sge.s32 s10, s4  }
0xac: {  	s11 =	sadd.s32 @!p0 $0x2, s11  }
0xad: {  	p1 =	sge.s32 @!p0 s11, s4  }
0xae: {  	p1 =	por p1, p0  }
0xaf: {  	s11 =	sshll.u32 @!p1 s11, $0x14  }
0xb0: {  	s10 =	sshll.u32 @!p0 s10, $0xC;
	s11 =	sor.u32 @!p1 s8, s11  }
0xb1: {  	s10 =	sor.u32 @!p0 s7, s10;
	s12 =	simm.s32 @!p1 $0x400;
	s11 =	sshrl.u32 @!p1 s11, $0x3  }
0xb2: {  	s13 =	simm.s32 @!p1 $0x800;
	s14 =	simm.s32 @!p1 $0x80;
	s11 =	sadd.s32 @!p1 s1, s11  }
0xb3: {  	[tilespmem:s14], [sflag:$0x1] =	stream.strided.gather @!p1 [hbm4b:s11+s12], $0x8000, s13, s12, $0x38;
	[tilespmem:$0x11880] =	vst v63  }
0xb4: {  	s11 =	sadd.s32 @!p0 $0x100, s10  }
0xb5: {  	p1 =	slt.s32 @!p0 s11, s15  }
0xb6: {  	p1 =	por !p1, p0  }
0xb7: {  	s11 =	smov.u32 @p1 s15  }
0xb8: {  	p1 =	sge.s32 @!p0 s10, s11  }
0xb9: {  	p1 =	por p0, p1  }
.Ltmp12:
0xba: {  	_ = 	snop;
	(pc) =	sbr.rel @p1 .LBB2_20-.Ltmp12, $4  }
0xbb: {  	s12 =	simm.s32 @!p0 $0x2  }
0xbc: {  	_ =	swait.ge @!p0 [sflag:s12], $0x8000  }
0xbd: {  	[sflag:s12] =	ssyncset.done @!p0 $0x0  }
0xbe: {  	[sflag:s12] =	ssyncadd.s32 @!p0 $0xFFFF8000  }
0xbf: {  	vm1 =	vle.s32 v4, s10  }
0xc0: {  	v6 =	vsel vm1, $0x1, v2  }
0xc1: {  	(xrf0) =	vadd.scan.msk.s32 $0xffff, v6;
	_ =	sdelay $0x5  }
0xc2: {  	v6, _, _ =	vpop (xrf0)  }
0xc3: {  	(v2sf) =	vpush v6, $0xF;
	_ =	sdelay $0xa  }
.Ltmp13:
0xc4: {  	_ = 	snop;
	(pc) =	sbr.rel .LBB2_15-.Ltmp13, $2  }
0xc5: {  	_ =	sdelay $0x2  }
0xc6: {  	s16 =	smov.u32 s10;
	s12 =	spop (v2sf)  }
.LBB2_18:
0xc7: {  	v9 =	vadd.f32 v10, v9  }
0xc8: {  	v10 =	vadd.f32 v12, v11;
	v11 =	vadd.f32 v13, v14  }
0xc9: {  	v12 =	vadd.f32 v17, v15;
	v13 =	vadd.f32 v18, v16  }
.LBB2_19:
0xca: {  	s14 =	sshll.u32 s12, $0x9  }
0xcb: {  	s14 =	sshra.s32 s14, $0x2  }
0xcc: {  	v14 =	vld [tilespmem:s14+$0x10080]  }
0xcd: {  	v15 =	vld [tilespmem:s14+$0x10090]  }
0xce: {  	v16 =	vld [tilespmem:s14+$0x100A0]  }
0xcf: {  	v18 =	vld [tilespmem:s14+$0x100C0]  }
0xd0: {  	v60 =	vld [tilespmem:s14+$0x100E0]  }
0xd1: {  	v17 =	vld [tilespmem:s14+$0x100B0];
	v13 =	vadd.f32 v14, v13  }
0xd2: {  	v61 =	vld [tilespmem:s14+$0x100F0];
	v7 =	vadd.f32 v15, v7  }
0xd3: {  	v59 =	vld [tilespmem:s14+$0x100D0];
	v8 =	vadd.f32 v16, v8;
	[tilespmem:s14+$0x10080] =	vst v13  }
0xd4: {  	v62 =	vadd.f32 v18, v10;
	[tilespmem:s14+$0x10090] =	vst v7  }
0xd5: {  	v63 =	vadd.f32 v60, v12;
	[tilespmem:s14+$0x100A0] =	vst v8  }
.Ltmp14:
0xd6: {  	v7 =	vadd.f32 v17, v9;
	[tilespmem:s14+$0x100C0] =	vst v62;
	(pc) =	sbr.rel @!p0 .LBB2_20-.Ltmp14, $4  }
0xd7: {  	v6 =	vadd.f32 v61, v6;
	[tilespmem:s14+$0x100E0] =	vst v63  }
0xd8: {  	[tilespmem:s14+$0x100B0] =	vst v7;
	v7 =	vadd.f32 v59, v11  }
0xd9: {  	[tilespmem:s14+$0x100F0] =	vst v6  }
0xda: {  	s12 =	sadd.s32 $0x1, s12;
	s16 =	smov.u32 s13;
	[tilespmem:s14+$0x100D0] =	vst v7  }
.LBB2_15:
0xdb: {  	v6 =	vmov s12  }
0xdc: {  	vm1 =	veq.s32 v6, v0  }
0xdd: {  	v6 =	vnsel vm1, $0x80000000, v5  }
0xde: {  	(xrf0) =	vmax.scan.msk.u32 $0xffff, v6;
	_ =	sdelay $0x5  }
0xdf: {  	v6, _, _ =	vpop (xrf0)  }
0xe0: {  	(v2sf) =	vpush v6, $0xF;
	_ =	sdelay $0xe  }
0xe1: {  	s13 =	spop (v2sf)  }
0xe2: {  	s14 =	sxor.u32 $0x80000000, s13  }
0xe3: {  	s13 =	smov.u32 s11;
	p0 =	slt.s32 s14, s11  }
0xe4: {  	s13 =	smov.u32 @p0 s14  }
0xe5: {  	s17 =	ssub.s32 s16, s10;
	s14 =	ssub.s32 s13, s10  }
0xe6: {  	p1 =	sge.s32 s17, s14  }
.Ltmp15:
0xe7: {  	_ = 	snop;
	(pc) =	sbr.rel @p1 .LBB2_19-.Ltmp15, $4  }
0xe8: {  	_ = 	snop  }
0xe9: {  	v13 =	vimm.f32 $0.0e+00;
	v7 =	vimm.f32 $0.0e+00  }
0xea: {  	v8 =	vimm.f32 $0.0e+00;
	v9 =	vimm.f32 $0.0e+00;
	v10 =	vimm.f32 $0.0e+00  }
0xeb: {  	v11 =	vimm.f32 $0.0e+00;
	v12 =	vimm.f32 $0.0e+00;
	v6 =	vimm.f32 $0.0e+00  }
0xec: {  	s16 =	sadd.s32 s16, s5  }
0xed: {  	s16 =	sshll.u32 s16, $0x9  }
0xee: {  	s16 =	sshra.s32 s16, $0x2  }
0xef: {  	s18 =	sadd.s32 $0x80C0, s16  }
0xf0: {  	v6 =	vld [tilespmem:s18+$0x30]  }
0xf1: {  	v7 =	vld [tilespmem:s18+$0xFFFFFFD0]  }
0xf2: {  	v8 =	vld [tilespmem:s18+$0xFFFFFFE0]  }
0xf3: {  	s16 =	sadd.s32 $0x1, s17;
	v10 =	vld [tilespmem:s18+$0xFFFFFFF0]  }
0xf4: {  	v12 =	vld [tilespmem:s18+$0x0];
	p1 =	slt.s32 s16, s14  }
.Ltmp16:
0xf5: {  	v13 =	vld [tilespmem:s18+$0x10];
	(pc) =	sbr.rel @!p1 .LBB2_18-.Ltmp16, $4  }
0xf6: {  	v17 =	vld [tilespmem:s18+$0x20]  }
0xf7: {  	v9 =	vimm.f32 $0.0e+00;
	v11 =	vimm.f32 $0.0e+00;
	v18 =	vld [tilespmem:s18+$0xFFFFFFC0]  }
0xf8: {  	v14 =	vimm.f32 $0.0e+00;
	v15 =	vimm.f32 $0.0e+00;
	v6 =	vadd.f32 v6, v9  }
0xf9: {  	v16 =	vimm.f32 $0.0e+00;
	s17 =	sadd.s32 $0x80, s18;
	v7 =	vadd.f32 v7, v9;
	v8 =	vadd.f32 v8, v9  }
.LBB2_17:
0xfa: {  	v19 =	vld [tilespmem:s17+$0x30];
	s16 =	sadd.s32 $0x1, s16;
	v9 =	vadd.f32 v10, v9  }
0xfb: {  	v11 =	vadd.f32 v12, v11;
	v20 =	vld [tilespmem:s17+$0xFFFFFFD0];
	p1 =	slt.s32 s16, s14  }
0xfc: {  	v14 =	vadd.f32 v13, v14;
	v21 =	vld [tilespmem:s17+$0xFFFFFFE0]  }
.Ltmp17:
0xfd: {  	v15 =	vadd.f32 v17, v15;
	v10 =	vld [tilespmem:s17+$0xFFFFFFF0];
	(pc) =	sbr.rel @p1 .LBB2_17-.Ltmp17, $4  }
0xfe: {  	v16 =	vadd.f32 v18, v16;
	v12 =	vld [tilespmem:s17+$0x0]  }
0xff: {  	v13 =	vld [tilespmem:s17+$0x10];
	v6 =	vadd.f32 v19, v6  }
0x100: {  	v7 =	vadd.f32 v20, v7;
	v17 =	vld [tilespmem:s17+$0x20]  }
0x101: {  	v18 =	vld [tilespmem:s17+$0xFFFFFFC0];
	v8 =	vadd.f32 v21, v8;
	s17 =	sadd.s32 $0x80, s17  }
.Ltmp18:
0x102: {  	_ = 	snop;
	(pc) =	sbr.rel .LBB2_18-.Ltmp18, $1  }
0x103: {  	_ =	sdelay $0x3  }
.LBB2_21:
0x104: {  	s3 =	simm.s32 $0x10080  }
0x105: {  	[spmem:s6] =	stream.linear.scatter [tilespmem:s3], [sflag:$0x3], $0x80, $0x38;
	[tilespmem:$0x11880] =	vst v63  }
0x106: {  	_ =	swait.ge [sflag:s30], $0x80  }
0x107: {  	[sflag:s30] =	ssyncset.done $0x0  }
0x108: {  	s4 =	simm.s32 $0x10100;
	s11 =	rddreg [dreg:$0x6];
	[sflag:s30] =	ssyncadd.s32 $0xFFFFFF80  }
0x109: {  	[spmem:s11] =	stream.linear.scatter [tilespmem:s4], [sflag:$0x3], $0x80, $0x38;
	[tilespmem:$0x11880] =	vst v63  }
0x10a: {  	_ =	swait.ge [sflag:s30], $0x80  }
0x10b: {  	[sflag:s30] =	ssyncset.done $0x0  }
0x10c: {  	s13 =	simm.s32 $0x10180;
	s12 =	rddreg [dreg:$0x7];
	[sflag:s30] =	ssyncadd.s32 $0xFFFFFF80  }
0x10d: {  	[spmem:s12] =	stream.linear.scatter [tilespmem:s13], [sflag:$0x3], $0x80, $0x38;
	[tilespmem:$0x11880] =	vst v63  }
0x10e: {  	_ =	swait.ge [sflag:s30], $0x80  }
0x10f: {  	[sflag:s30] =	ssyncset.done $0x0  }
0x110: {  	s15 =	simm.s32 $0x10200;
	s14 =	rddreg [dreg:$0x8];
	[sflag:s30] =	ssyncadd.s32 $0xFFFFFF80  }
0x111: {  	[spmem:s14] =	stream.linear.scatter [tilespmem:s15], [sflag:$0x3], $0x80, $0x38;
	[tilespmem:$0x11880] =	vst v63  }
0x112: {  	_ =	swait.ge [sflag:s30], $0x80  }
0x113: {  	[sflag:s30] =	ssyncset.done $0x0  }
0x114: {  	s17 =	simm.s32 $0x10280;
	s16 =	rddreg [dreg:$0x9];
	[sflag:s30] =	ssyncadd.s32 $0xFFFFFF80  }
0x115: {  	[spmem:s16] =	stream.linear.scatter [tilespmem:s17], [sflag:$0x3], $0x80, $0x38;
	[tilespmem:$0x11880] =	vst v63  }
0x116: {  	_ =	swait.ge [sflag:s30], $0x80  }
0x117: {  	[sflag:s30] =	ssyncset.done $0x0  }
0x118: {  	s19 =	simm.s32 $0x10300;
	s18 =	rddreg [dreg:$0xa];
	[sflag:s30] =	ssyncadd.s32 $0xFFFFFF80  }
0x119: {  	[spmem:s18] =	stream.linear.scatter [tilespmem:s19], [sflag:$0x3], $0x80, $0x38;
	[tilespmem:$0x11880] =	vst v63  }
0x11a: {  	_ =	swait.ge [sflag:s30], $0x80  }
0x11b: {  	[sflag:s30] =	ssyncset.done $0x0  }
0x11c: {  	s29 =	simm.s32 $0x10380;
	s28 =	rddreg [dreg:$0xb];
	[sflag:s30] =	ssyncadd.s32 $0xFFFFFF80  }
0x11d: {  	[spmem:s28] =	stream.linear.scatter [tilespmem:s29], [sflag:$0x3], $0x80, $0x38;
	[tilespmem:$0x11880] =	vst v63  }
0x11e: {  	_ =	swait.ge [sflag:s30], $0x80  }
0x11f: {  	[sflag:s30] =	ssyncset.done $0x0  }
0x120: {  	s5 =	simm.s32 $0x10400;
	s4 =	rddreg [dreg:$0xc];
	[sflag:s30] =	ssyncadd.s32 $0xFFFFFF80  }
0x121: {  	[spmem:s4] =	stream.linear.scatter [tilespmem:s5], [sflag:$0x3], $0x80, $0x38;
	[tilespmem:$0x11880] =	vst v63  }
0x122: {  	_ =	swait.ge [sflag:s30], $0x80  }
0x123: {  	[sflag:s30] =	ssyncset.done $0x0  }
0x124: {  	s10 =	simm.s32 $0x10480;
	s9 =	rddreg [dreg:$0xd];
	[sflag:s30] =	ssyncadd.s32 $0xFFFFFF80  }
0x125: {  	[spmem:s9] =	stream.linear.scatter [tilespmem:s10], [sflag:$0x3], $0x80, $0x38;
	[tilespmem:$0x11880] =	vst v63  }
0x126: {  	_ =	swait.ge [sflag:s30], $0x80  }
0x127: {  	[sflag:s30] =	ssyncset.done $0x0  }
0x128: {  	s12 =	simm.s32 $0x10500;
	s11 =	rddreg [dreg:$0xe];
	[sflag:s30] =	ssyncadd.s32 $0xFFFFFF80  }
0x129: {  	[spmem:s11] =	stream.linear.scatter [tilespmem:s12], [sflag:$0x3], $0x80, $0x38;
	[tilespmem:$0x11880] =	vst v63  }
0x12a: {  	_ =	swait.ge [sflag:s30], $0x80  }
0x12b: {  	[sflag:s30] =	ssyncset.done $0x0  }
0x12c: {  	s14 =	simm.s32 $0x10580;
	s13 =	rddreg [dreg:$0xf];
	[sflag:s30] =	ssyncadd.s32 $0xFFFFFF80  }
0x12d: {  	[spmem:s13] =	stream.linear.scatter [tilespmem:s14], [sflag:$0x3], $0x80, $0x38;
	[tilespmem:$0x11880] =	vst v63  }
0x12e: {  	_ =	swait.ge [sflag:s30], $0x80  }
0x12f: {  	[sflag:s30] =	ssyncset.done $0x0  }
0x130: {  	s16 =	simm.s32 $0x10600;
	s15 =	rddreg [dreg:$0x10];
	[sflag:s30] =	ssyncadd.s32 $0xFFFFFF80  }
0x131: {  	[spmem:s15] =	stream.linear.scatter [tilespmem:s16], [sflag:$0x3], $0x80, $0x38;
	[tilespmem:$0x11880] =	vst v63  }
0x132: {  	_ =	swait.ge [sflag:s30], $0x80  }
0x133: {  	[sflag:s30] =	ssyncset.done $0x0  }
0x134: {  	s17 =	simm.s32 $0x10680;
	[sflag:s30] =	ssyncadd.s32 $0xFFFFFF80  }
0x135: {  	[spmem:s20] =	stream.linear.scatter [tilespmem:s17], [sflag:$0x3], $0x80, $0x38;
	[tilespmem:$0x11880] =	vst v63  }
0x136: {  	_ =	swait.ge [sflag:s30], $0x80  }
0x137: {  	[sflag:s30] =	ssyncset.done $0x0  }
0x138: {  	s18 =	simm.s32 $0x10700;
	[sflag:s30] =	ssyncadd.s32 $0xFFFFFF80  }
0x139: {  	[spmem:s22] =	stream.linear.scatter [tilespmem:s18], [sflag:$0x3], $0x80, $0x38;
	[tilespmem:$0x11880] =	vst v63  }
0x13a: {  	_ =	swait.ge [sflag:s30], $0x80  }
0x13b: {  	[sflag:s30] =	ssyncset.done $0x0  }
0x13c: {  	s19 =	simm.s32 $0x10780;
	[sflag:s30] =	ssyncadd.s32 $0xFFFFFF80  }
0x13d: {  	[spmem:s24] =	stream.linear.scatter [tilespmem:s19], [sflag:$0x3], $0x80, $0x38;
	[tilespmem:$0x11880] =	vst v63  }
0x13e: {  	_ =	swait.ge [sflag:s30], $0x80  }
0x13f: {  	[sflag:s30] =	ssyncset.done $0x0  }
0x140: {  	s28 =	simm.s32 $0x10800;
	[sflag:s30] =	ssyncadd.s32 $0xFFFFFF80  }
0x141: {  	[spmem:s26] =	stream.linear.scatter [tilespmem:s28], [sflag:$0x3], $0x80, $0x38;
	[tilespmem:$0x11880] =	vst v63  }
0x142: {  	_ =	swait.ge [sflag:s30], $0x80  }
0x143: {  	[sflag:s30] =	ssyncset.done $0x0  }
0x144: {  	[sflag:s30] =	ssyncadd.s32 $0xFFFFFF80  }
0x145: {  	[bflag:$0x0] =	sbarrier.arrive $0xFFFF  }
0x146: {  	[bflag:$0x0] =	sbarrier.arrive $0xFFFF  }
0x147: {  	[tilespmem:s0], [sflag:$0x3] =	stream.linear.gather [spmem:s21], $0x800, $0x38;
	[tilespmem:$0x11880] =	vst v63  }
0x148: {  	_ =	swait.ge [sflag:s30], $0x800  }
0x149: {  	[sflag:s30] =	ssyncset.done $0x0  }
0x14a: {  	s29 =	simm.s32 $0x0;
	[sflag:s30] =	ssyncadd.s32 $0xFFFFF800  }
0x14b: {  	v4 =	vld [tilespmem:s29+$0x108F0]  }
0x14c: {  	v5 =	vld [tilespmem:s29+$0x10880]  }
0x14d: {  	v7 =	vld [tilespmem:s29+$0x10890]  }
0x14e: {  	v16 =	vld [tilespmem:s29+$0x108A0]  }
0x14f: {  	v15 =	vld [tilespmem:s29+$0x108B0]  }
0x150: {  	v6 =	vimm.f32 $0.0e+00;
	v12 =	vimm.f32 $0.0e+00;
	v9 =	vld [tilespmem:s29+$0x108C0]  }
0x151: {  	v13 =	vimm.f32 $0.0e+00;
	v10 =	vld [tilespmem:s29+$0x108D0];
	v4 =	vadd.f32 v4, v6;
	v11 =	vadd.f32 v5, v6  }
0x152: {  	s3 =	simm.s32 $0x80;
	s4 =	simm.s32 $0x400;
	v14 =	vld [tilespmem:s29+$0x108E0];
	v8 =	vadd.f32 v7, v6;
	v7 =	vimm.f32 $0.0e+00;
	v5 =	vimm.f32 $0.0e+00  }
.LBB2_22:
0x153: {  	p0 =	sne.s32 s4, $0x1E00;
	v17 =	vld [tilespmem:s3+$0x108F0];
	v6 =	vadd.f32 v16, v6  }
0x154: {  	v18 =	vld [tilespmem:s3+$0x10880];
	v12 =	vadd.f32 v15, v12  }
0x155: {  	v19 =	vld [tilespmem:s3+$0x10890];
	v13 =	vadd.f32 v9, v13  }
.Ltmp19:
0x156: {  	v16 =	vld [tilespmem:s3+$0x108A0];
	v7 =	vadd.f32 v10, v7;
	(pc) =	sbr.rel @p0 .LBB2_22-.Ltmp19, $4  }
0x157: {  	v15 =	vld [tilespmem:s3+$0x108B0];
	v5 =	vadd.f32 v14, v5  }
0x158: {  	v9 =	vld [tilespmem:s3+$0x108C0];
	v4 =	vadd.f32 v17, v4  }
0x159: {  	v11 =	vadd.f32 v18, v11;
	v10 =	vld [tilespmem:s3+$0x108D0]  }
0x15a: {  	v8 =	vadd.f32 v19, v8;
	v14 =	vld [tilespmem:s3+$0x108E0];
	s3 =	sshra.s32 s4, $0x2;
	s4 =	sadd.s32 $0x200, s4  }
0x15b: {  	vm1 =	vgt.s32 v3, $0x1  }
0x15c: {  	v3 =	vnsel vm1, $0x1, v3  }
0x15d: {  	v3 =	vor.u32 $0x80000000, v3  }
0x15e: {  	v3 =	vnsel vm0, $0x80000000, v3  }
0x15f: {  	(xrf0) =	vmax.scan.msk.u32 $0xffff, v3;
	_ =	sdelay $0x5  }
0x160: {  	v3, _, _ =	vpop (xrf0)  }
0x161: {  	(v2sf) =	vpush v3, $0xF;
	_ =	sdelay $0xe  }
0x162: {  	s4 =	spop (v2sf)  }
0x163: {  	s4 =	sxor.u32 $0x80000000, s4  }
0x164: {  	v3 =	vmov s4  }
0x165: {  	v3 =	vcvt.s32.f32 v3;
	_ =	sdelay $0x1  }
0x166: {  	v3 =	vbroadcast v3, $0x0;
	_ =	sdelay $0x1  }
0x167: {  	(erf) = vrcp.f32 v3;
	_ =	sdelay $0x2  }
0x168: {  	v3 =	vld [tilespmem:s3+$0x10880]  }
0x169: {  	v17 =	vld [tilespmem:s3+$0x10890]  }
0x16a: {  	v19 =	vld [tilespmem:s3+$0x108B0]  }
0x16b: {  	v18 =	vld [tilespmem:s3+$0x108A0]  }
0x16c: {  	v60 =	vld [tilespmem:s3+$0x108F0]  }
0x16d: {  	v20 =	vld [tilespmem:s3+$0x108C0];
	v12 =	vadd.f32 v15, v12;
	v3 =	vadd.f32 v3, v11  }
0x16e: {  	v6 =	vadd.f32 v16, v6;
	v57 =	vld [tilespmem:s3+$0x108D0];
	v8 =	vadd.f32 v17, v8;
	v59 =	vpop (erf)  }
0x16f: {  	v58 =	vld [tilespmem:s3+$0x108E0];
	v61 =	vadd.f32 v19, v12;
	v3 =	vmul.f32 v3, v59  }
0x170: {  	v9 =	vadd.f32 v9, v13;
	v6 =	vadd.f32 v18, v6;
	v8 =	vmul.f32 v8, v59  }
0x171: {  	v7 =	vadd.f32 v10, v7;
	v4 =	vadd.f32 v60, v4;
	v63 =	vmul.f32 v61, v59;
	[tilespmem:$0x10880] =	vst v3  }
0x172: {  	v5 =	vadd.f32 v14, v5;
	v9 =	vadd.f32 v20, v9;
	v3 =	vmul.f32 v6, v59;
	[tilespmem:$0x10890] =	vst v8  }
0x173: {  	v62 =	vadd.f32 v57, v7;
	v4 =	vmul.f32 v4, v59;
	[tilespmem:$0x108B0] =	vst v63  }
0x174: {  	v5 =	vadd.f32 v58, v5;
	[tilespmem:$0x108A0] =	vst v3;
	v3 =	vmul.f32 v9, v59  }
0x175: {  	v6 =	vmul.f32 v62, v59;
	[tilespmem:$0x108F0] =	vst v4  }
0x176: {  	s2 =	sadd.s32 $0x1, s2;
	[tilespmem:$0x108C0] =	vst v3;
	v3 =	vmul.f32 v5, v59  }
0x177: {  	p0 =	sne.s32 s2, s25;
	[tilespmem:$0x108D0] =	vst v6  }
.Ltmp20:
0x178: {  	s11 =	simm.s32 $0x0;
	[tilespmem:$0x108E0] =	vst v3;
	(pc) =	sbr.rel @p0 .LBB2_1-.Ltmp20, $4  }
0x179: {  	[hbm4b:s23+s11] =	stream.linear.scatter [tilespmem:s0], [sflag:$0x3], $0x80, $0x38;
	[tilespmem:$0x11880] =	vst v63  }
0x17a: {  	_ =	swait.ge [sflag:s30], $0x80  }
0x17b: {  	[sflag:s30] =	ssyncset.done $0x0  }
0x17c: {  	[sflag:s30] =	ssyncadd.s32 $0xFFFFFF80  }
0x17d: {  	_ =	sfence.sel $0x180000  }
0x17e: {  	[bflag:$0x0] =	sbarrier.arrive $0xFFFF  }
0x17f: {  	_ =	strace $0x90000047  }
0x180: {  	s0 =	stileid.u32;
	[bflag:$0x2] =	sbarrier.arrive $0xFFFF  }
0x181: {  	p0 =	sne.s32 s0, $0x0;
	s0 =	rddreg [dreg:$0x4]  }
0x182: {  	s0 =	sadd.s32 @!p0 $0x100000, s0  }
0x183: {  	[sflag:s0] =	ssyncadd.tile.s32 @!p0 $0x1;
	_ =	shalt  }
.Lfunc_end2:
_tile_overlayer_lowered:
.L_overlay_start_2:
0x184: {  	(tag) =	ssettag $0x2  }
0x185: {  	s0 =	rddreg [dreg:$0x0];
	s2 =	stileid.u32  }
0x186: {  	s1 =	rddreg [dreg:$0x1];
	p0 =	sne.s32 s2, $0x0  }
0x187: {  	s3 =	rddreg [dreg:$0x2];
	[bflag:$0x3] =	sbarrier.arrive $0xFFFF;
	s2 =	simm.s32 @!p0 $0x1C03  }
0x188: {  	[timem:s3], [sflag:s2] =	dma.local @!p0 [hbm:s0], s1  }
0x189: {  	s0 =	simm.s32 @!p0 $0x3  }
0x18a: {  	_ =	swait.ge @!p0 [sflag:s0], s1  }
0x18b: {  	s1 =	ssub.s32 @!p0 $0x0, s1;
	[sflag:s0] =	ssyncset.done @!p0 $0x0  }
0x18c: {  	[sflag:s0] =	ssyncadd.s32 @!p0 s1  }
0x18d: {  	[bflag:$0x3] =	sbarrier.arrive $0xFFFF  }
0x18e: {  	_ =	shalt  }

</sc_bundles>
